<compile_context>
chip_gen: v7x
topology: tpu7x:2x2x1
jax: 0.10.2.dev20260603
libtpu: 0.0.44.dev20260713+nightly
codegen_flags: <defaults>
</compile_context>

<pallas_src>
import functools

import jax
import jax.numpy as jnp
from jax import lax
from jax.experimental import pallas as pl
from jax.experimental.pallas import tpu as pltpu
from jax.experimental.pallas import tpu_sc as plsc

N = 10000
E = 320000
D = 128

NC = 2
NS = 16
NW = NC * NS
EPW = E // NW
CHUNK = 80
NCHUNK = EPW // CHUNK
RPS = 624
TAIL = N - NS * RPS

_sc_mesh = plsc.VectorSubcoreMesh(core_axis_name="c", subcore_axis_name="s")


@functools.partial(
    pl.kernel,
    out_type=jax.ShapeDtypeStruct((NC, N, D), jnp.float32),
    mesh=_sc_mesh,
    scratch_types=[
        pltpu.VMEM((NCHUNK, CHUNK), jnp.int32),
        pltpu.VMEM((CHUNK,), jnp.int32),
        pltpu.VMEM((CHUNK,), jnp.int32),
        pltpu.VMEM((CHUNK,), jnp.int32),
        pltpu.VMEM((CHUNK,), jnp.int32),
        pltpu.VMEM((CHUNK, D), jnp.float32),
        pltpu.VMEM((CHUNK, D), jnp.float32),
        pltpu.VMEM_SHARED((N, D), jnp.float32),
        pltpu.SemaphoreType.DMA,
        pltpu.SemaphoreType.DMA,
        pltpu.SemaphoreType.DMA,
        pltpu.SemaphoreType.DMA,
    ],
)
def _sc_aggregate(node_hbm, comb_hbm, out_hbm,
                  comb_v, sa, da, sb, db, rows_a, rows_b,
                  accum, gsem_a, gsem_b, ssem_a, ssem_b):
    c = lax.axis_index("c")
    s = lax.axis_index("s")
    w = s * NC + c

    pltpu.sync_copy(node_hbm.at[pl.ds(s * RPS, RPS)],
                    accum.at[pl.ds(s * RPS, RPS)])

    @pl.when(s == 0)
    def _init_tail():
        pltpu.sync_copy(node_hbm.at[pl.ds(NS * RPS, TAIL)],
                        accum.at[pl.ds(NS * RPS, TAIL)])

    pltpu.sync_copy(comb_hbm.at[w], comb_v)
    plsc.subcore_barrier()

    def unpack(i, sbuf, dbuf):
        for k in range(CHUNK // 16):
            v = comb_v[i, pl.ds(k * 16, 16)]
            sbuf[pl.ds(k * 16, 16)] = jnp.minimum(v & 0x3FFF, N - 1)
            dbuf[pl.ds(k * 16, 16)] = jnp.minimum(
                lax.shift_right_logical(v, 14), N - 1)

    def gather(sbuf, buf, sem):
        pltpu.async_copy(node_hbm.at[sbuf], buf, sem)

    def gather_wait(sbuf, buf, sem):
        pltpu.make_async_copy(node_hbm.at[sbuf], buf, sem).wait()

    def scatter(dbuf, buf, sem):
        pltpu.async_copy(buf, accum.at[dbuf], sem, add=True)

    def scatter_wait(dbuf, buf, sem):
        pltpu.make_async_copy(buf, accum.at[dbuf], sem).wait()

    unpack(0, sa, da)
    gather(sa, rows_a, gsem_a)
    unpack(1, sb, db)
    gather(sb, rows_b, gsem_b)

    @pl.loop(0, NCHUNK, step=2)
    def _pair(g):
        gather_wait(sa, rows_a, gsem_a)
        scatter(da, rows_a, ssem_a)

        @pl.when(g + 1 < NCHUNK)
        def _():
            gather_wait(sb, rows_b, gsem_b)
            scatter(db, rows_b, ssem_b)

        @pl.when(g + 2 < NCHUNK)
        def _():
            scatter_wait(da, rows_a, ssem_a)
            unpack(g + 2, sa, da)
            gather(sa, rows_a, gsem_a)

        @pl.when(g + 3 < NCHUNK)
        def _():
            scatter_wait(db, rows_b, ssem_b)
            unpack(g + 3, sb, db)
            gather(sb, rows_b, gsem_b)

    scatter_wait(db, rows_b, ssem_b)
    scatter_wait(da, rows_a, ssem_a)
    plsc.subcore_barrier()
    pltpu.sync_copy(accum.at[pl.ds(s * RPS, RPS)],
                    out_hbm.at[c, pl.ds(s * RPS, RPS)])

    @pl.when(s == 0)
    def _out_tail():
        pltpu.sync_copy(accum.at[pl.ds(NS * RPS, TAIL)],
                        out_hbm.at[c, pl.ds(NS * RPS, TAIL)])


BLK = 2000


def _mlp_body(node_ref, p0_ref, p1_ref, eps_ref,
              w1_ref, b1_ref, g1_ref, be1_ref,
              w2_ref, b2_ref, g2_ref, be2_ref,
              w3_ref, b3_ref, gn_ref, bn_ref, o_ref):
    def ln(x, g, b):
        mu = jnp.mean(x, axis=-1, keepdims=True)
        var = jnp.mean((x - mu) ** 2, axis=-1, keepdims=True)
        return (x - mu) * lax.rsqrt(var + 1e-5) * g + b

    eps = eps_ref[0]
    h = p0_ref[0] + p1_ref[0] + (eps - 1.0) * node_ref[...]
    h = ln(jnp.dot(h, w1_ref[...], preferred_element_type=jnp.float32)
           + b1_ref[...], g1_ref[...], be1_ref[...])
    h = jnp.maximum(h, 0.0)
    h = ln(jnp.dot(h, w2_ref[...], preferred_element_type=jnp.float32)
           + b2_ref[...], g2_ref[...], be2_ref[...])
    h = jnp.maximum(h, 0.0)
    h = jnp.dot(h, w3_ref[...], preferred_element_type=jnp.float32) + b3_ref[...]
    o_ref[...] = jnp.maximum(ln(h, gn_ref[...], bn_ref[...]), 0.0)


_row_spec = pl.BlockSpec((BLK, D), lambda i: (i, 0))
_p_spec0 = pl.BlockSpec((1, BLK, D), lambda i: (0, i, 0))
_p_spec1 = pl.BlockSpec((1, BLK, D), lambda i: (1, i, 0))
_w_spec = pl.BlockSpec((D, D), lambda i: (0, 0))
_v_spec = pl.BlockSpec((1, D), lambda i: (0, 0))
_s_spec = pl.BlockSpec(memory_space=pltpu.SMEM)

_mlp_call = pl.pallas_call(
    _mlp_body,
    grid=(N // BLK,),
    in_specs=[_row_spec, _p_spec0, _p_spec1, _s_spec,
              _w_spec, _v_spec, _v_spec, _v_spec,
              _w_spec, _v_spec, _v_spec, _v_spec,
              _w_spec, _v_spec, _v_spec, _v_spec],
    out_specs=_row_spec,
    out_shape=jax.ShapeDtypeStruct((N, D), jnp.float32),
)


def kernel(node, edge_index, edge_attr, batch_ptr,
           W1, b1, g1, be1, W2, b2, g2, be2, W3, b3, eps, gN, bN):
    ei = edge_index.astype(jnp.int32)
    comb = (ei[0] + (ei[1] << 14)).reshape(NW, NCHUNK, CHUNK)
    partials = _sc_aggregate(node, comb)
    eps1 = jnp.reshape(eps, (1,)).astype(jnp.float32)
    row = lambda v: jnp.reshape(v, (1, D))
    return _mlp_call(node, partials, partials, eps1,
                     W1, row(b1), row(g1), row(be1),
                     W2, row(b2), row(g2), row(be2),
                     W3, row(b3), row(gN), row(bN))

# --- scband reference (transcript-rebuilt; emitter-appended) ---
"""Pipeline reference for scband-ginconv-layer-25031069401546 (READ-ONLY COPY).

The authoritative reference and input builder live on the scoring server;
editing this copy changes nothing except your own understanding.
"""

import jax, jax.numpy as jnp
import numpy as np

N = 10000
E = 320000
D = 128


def _ln(x, gamma, beta, eps=1e-5):
    mu = jnp.mean(x, axis=-1, keepdims=True)
    var = jnp.mean((x - mu) ** 2, axis=-1, keepdims=True)
    return (x - mu) / jnp.sqrt(var + eps) * gamma + beta


def setup_inputs(seed: int = 0) -> dict:
    key = jax.random.key(seed)
    ks = jax.random.split(key, 16)
    s = 1.0 / np.sqrt(D)
    inp = {
        "node": jax.random.normal(ks[0], (N, D), dtype=jnp.float32),
        "edge_index": jax.random.randint(ks[1], (2, E), 0, N, dtype=jnp.int64) if jax.config.jax_enable_x64 else jax.random.randint(ks[1], (2, E), 0, N).astype(jnp.int32),
        "edge_attr": jax.random.normal(ks[2], (E, 16), dtype=jnp.float32),
        "batch_ptr": jnp.array([0, N], dtype=jnp.int32),
        "W1": jax.random.normal(ks[3], (D, D), dtype=jnp.float32) * s,
        "b1": jnp.zeros((D,), dtype=jnp.float32),
        "g1": jnp.ones((D,), dtype=jnp.float32),
        "be1": jnp.zeros((D,), dtype=jnp.float32),
        "W2": jax.random.normal(ks[4], (D, D), dtype=jnp.float32) * s,
        "b2": jnp.zeros((D,), dtype=jnp.float32),
        "g2": jnp.ones((D,), dtype=jnp.float32),
        "be2": jnp.zeros((D,), dtype=jnp.float32),
        "W3": jax.random.normal(ks[5], (D, D), dtype=jnp.float32) * s,
        "b3": jnp.zeros((D,), dtype=jnp.float32),
        "eps": jnp.zeros((), dtype=jnp.float32),
        "gN": jnp.ones((D,), dtype=jnp.float32),
        "bN": jnp.zeros((D,), dtype=jnp.float32),
    }
    return inp


def reference(node, edge_index, edge_attr, batch_ptr, W1, b1, g1, be1, W2, b2, g2, be2, W3, b3, eps, gN, bN):
    # GINConv: sum-aggregate messages x_j from source to destination nodes
    src = edge_index[0]
    dst = edge_index[1]
    aggr = jnp.zeros_like(node).at[dst].add(node[src])
    h = (1.0 + eps) * node + aggr
    # MLP(in->hidden->out, num_layers=3, LayerNorm + ReLU between, plain last layer)
    h = _ln(h @ W1 + b1, g1, be1)
    h = jax.nn.relu(h)
    h = _ln(h @ W2 + b2, g2, be2)
    h = jax.nn.relu(h)
    h = h @ W3 + b3
    # outer Norm + ReLU (skip_connection=False)
    out = jax.nn.relu(_ln(h, gN, bN))
    return out

if __name__ == "__main__":
    import jax
    _d = setup_inputs()
    print(jax.jit(kernel)(*tuple(_d.values())))

</pallas_src>

<mosaic_0001>
#map = affine_map<(d0, d1) -> (0, 0)>
#map1 = affine_map<(d0, d1) -> (0, 0, 0)>
module attributes {stable_mosaic.version = 14 : i64} {
  func.func @_sc_aggregate(%arg0: i32, %arg1: i32, %arg2: memref<10000x128xf32, #tpu.memory_space<hbm>>, %arg3: memref<32x125x80xi32, #tpu.memory_space<hbm>>, %arg4: memref<2x10000x128xf32, #tpu.memory_space<hbm>>, %arg5: memref<125x80xi32, #tpu.memory_space<vmem>>, %arg6: memref<80xi32, #tpu.memory_space<vmem>>, %arg7: memref<80xi32, #tpu.memory_space<vmem>>, %arg8: memref<80xi32, #tpu.memory_space<vmem>>, %arg9: memref<80xi32, #tpu.memory_space<vmem>>, %arg10: memref<80x128xf32, #tpu.memory_space<vmem>>, %arg11: memref<80x128xf32, #tpu.memory_space<vmem>>, %arg12: memref<10000x128xf32, #tpu.memory_space<vmem_shared>>, %arg13: memref<!tpu.dma_semaphore, #tpu.memory_space<semaphore_mem>>, %arg14: memref<!tpu.dma_semaphore, #tpu.memory_space<semaphore_mem>>, %arg15: memref<!tpu.dma_semaphore, #tpu.memory_space<semaphore_mem>>, %arg16: memref<!tpu.dma_semaphore, #tpu.memory_space<semaphore_mem>>) attributes {dimension_semantics = [#tpu.dimension_semantics<core_parallel>, #tpu.dimension_semantics<subcore_parallel>], iteration_bounds = array<i64: 2, 16>, scalar_prefetch = 0 : i64, scratch_operands = 12 : i64, tpu.core_type = #tpu.core_type<sc_vector_subcore>, window_params = [{transform_indices = #map}, {transform_indices = #map1}, {transform_indices = #map1}]} {
    %mul3A = arith.constant 2 : i32
    %mul3A_0 = arith.muli %arg1, %mul3A : i32
    %add3A = arith.addi %mul3A_0, %arg0 : i32
    %mul3A_1 = arith.constant 624 : i32
    %mul3A_2 = arith.muli %arg1, %mul3A_1 : i32
    %mul3A_3 = arith.constant 624 : i32
    %mul3A_4 = arith.muli %arg1, %mul3A_3 : i32
    "tpu.region"() ({
      %run_scoped3A = tpu.sem_alloc : memref<!tpu.dma_semaphore, #tpu.memory_space<semaphore_mem>>
      %dma_start3A_276 = arith.constant 0 : i32
      %dma_start3A_277 = tpu.memref_slice %arg12[%mul3A_4, %dma_start3A_276] : memref<10000x128xf32, #tpu.memory_space<vmem_shared>> -> memref<624x128xf32, #tpu.memory_space<vmem_shared>>
      %dma_start3A_278 = arith.constant 0 : i32
      %dma_start3A_279 = tpu.memref_slice %arg2[%mul3A_2, %dma_start3A_278] : memref<10000x128xf32, #tpu.memory_space<hbm>> -> memref<624x128xf32, #tpu.memory_space<hbm>>
      tpu.enqueue_dma source(%dma_start3A_279 : memref<624x128xf32, #tpu.memory_space<hbm>>) target(%dma_start3A_277 : memref<624x128xf32, #tpu.memory_space<vmem_shared>>) target_semaphore(%run_scoped3A : memref<!tpu.dma_semaphore, #tpu.memory_space<semaphore_mem>>)
      %dma_wait3A_280 = arith.constant 0 : i32
      %dma_wait3A_281 = tpu.memref_slice %arg12[%mul3A_4, %dma_wait3A_280] : memref<10000x128xf32, #tpu.memory_space<vmem_shared>> -> memref<624x128xf32, #tpu.memory_space<vmem_shared>>
      %dma_wait3A_282 = arith.constant 0 : i32
      %dma_wait3A_283 = tpu.memref_slice %arg2[%mul3A_2, %dma_wait3A_282] : memref<10000x128xf32, #tpu.memory_space<hbm>> -> memref<624x128xf32, #tpu.memory_space<hbm>>
      tpu.wait_dma2 semaphore(%run_scoped3A : memref<!tpu.dma_semaphore, #tpu.memory_space<semaphore_mem>>) src(%dma_wait3A_283 : memref<624x128xf32, #tpu.memory_space<hbm>>) dst(%dma_wait3A_281 : memref<624x128xf32, #tpu.memory_space<vmem_shared>>)
      tpu.yield
    }) : () -> ()
    %eq3A = arith.constant 0 : i32
    %eq3A_5 = arith.cmpi eq, %arg1, %eq3A : i32
    %convert_element_type3A = arith.extui %eq3A_5 : i1 to i32
    %cond3A = arith.constant 0 : i32
    %cond3A_6 = arith.cmpi ne, %convert_element_type3A, %cond3A : i32
    scf.if %cond3A_6 {
      "tpu.region"() ({
        %run_scoped3A = tpu.sem_alloc : memref<!tpu.dma_semaphore, #tpu.memory_space<semaphore_mem>>
        %dma_start3A_276 = arith.constant 9984 : i32
        %dma_start3A_277 = arith.constant 0 : i32
        %dma_start3A_278 = tpu.memref_slice %arg12[%dma_start3A_276, %dma_start3A_277] : memref<10000x128xf32, #tpu.memory_space<vmem_shared>> -> memref<16x128xf32, #tpu.memory_space<vmem_shared>>
        %dma_start3A_279 = arith.constant 9984 : i32
        %dma_start3A_280 = arith.constant 0 : i32
        %dma_start3A_281 = tpu.memref_slice %arg2[%dma_start3A_279, %dma_start3A_280] : memref<10000x128xf32, #tpu.memory_space<hbm>> -> memref<16x128xf32, #tpu.memory_space<hbm>>
        tpu.enqueue_dma source(%dma_start3A_281 : memref<16x128xf32, #tpu.memory_space<hbm>>) target(%dma_start3A_278 : memref<16x128xf32, #tpu.memory_space<vmem_shared>>) target_semaphore(%run_scoped3A : memref<!tpu.dma_semaphore, #tpu.memory_space<semaphore_mem>>)
        %dma_wait3A_282 = arith.constant 9984 : i32
        %dma_wait3A_283 = arith.constant 0 : i32
        %dma_wait3A_284 = tpu.memref_slice %arg12[%dma_wait3A_282, %dma_wait3A_283] : memref<10000x128xf32, #tpu.memory_space<vmem_shared>> -> memref<16x128xf32, #tpu.memory_space<vmem_shared>>
        %dma_wait3A_285 = arith.constant 9984 : i32
        %dma_wait3A_286 = arith.constant 0 : i32
        %dma_wait3A_287 = tpu.memref_slice %arg2[%dma_wait3A_285, %dma_wait3A_286] : memref<10000x128xf32, #tpu.memory_space<hbm>> -> memref<16x128xf32, #tpu.memory_space<hbm>>
        tpu.wait_dma2 semaphore(%run_scoped3A : memref<!tpu.dma_semaphore, #tpu.memory_space<semaphore_mem>>) src(%dma_wait3A_287 : memref<16x128xf32, #tpu.memory_space<hbm>>) dst(%dma_wait3A_284 : memref<16x128xf32, #tpu.memory_space<vmem_shared>>)
        tpu.yield
      }) : () -> ()
    } else {
    }
    "tpu.region"() ({
      %run_scoped3A = tpu.sem_alloc : memref<!tpu.dma_semaphore, #tpu.memory_space<semaphore_mem>>
      %dma_start3A_276 = arith.constant 0 : i32
      %dma_start3A_277 = arith.constant 0 : i32
      %dma_start3A_278 = tpu.memref_slice %arg3[%add3A, %dma_start3A_276, %dma_start3A_277] : memref<32x125x80xi32, #tpu.memory_space<hbm>> -> memref<1x125x80xi32, #tpu.memory_space<hbm>>
      %dma_start3A_279 = tpu.memref_squeeze %dma_start3A_278 : memref<1x125x80xi32, #tpu.memory_space<hbm>> -> memref<125x80xi32, #tpu.memory_space<hbm>>
      %dma_start3A_280 = arith.constant 0 : i32
      %dma_start3A_281 = arith.constant 0 : i32
      %dma_start3A_282 = tpu.memref_slice %arg3[%add3A, %dma_start3A_280, %dma_start3A_281] : memref<32x125x80xi32, #tpu.memory_space<hbm>> -> memref<1x125x80xi32, #tpu.memory_space<hbm>>
      %dma_start3A_283 = tpu.memref_squeeze %dma_start3A_282 : memref<1x125x80xi32, #tpu.memory_space<hbm>> -> memref<125x80xi32, #tpu.memory_space<hbm>>
      tpu.enqueue_dma source(%dma_start3A_283 : memref<125x80xi32, #tpu.memory_space<hbm>>) target(%arg5 : memref<125x80xi32, #tpu.memory_space<vmem>>) target_semaphore(%run_scoped3A : memref<!tpu.dma_semaphore, #tpu.memory_space<semaphore_mem>>)
      %dma_wait3A_284 = arith.constant 0 : i32
      %dma_wait3A_285 = arith.constant 0 : i32
      %dma_wait3A_286 = tpu.memref_slice %arg3[%add3A, %dma_wait3A_284, %dma_wait3A_285] : memref<32x125x80xi32, #tpu.memory_space<hbm>> -> memref<1x125x80xi32, #tpu.memory_space<hbm>>
      %dma_wait3A_287 = tpu.memref_squeeze %dma_wait3A_286 : memref<1x125x80xi32, #tpu.memory_space<hbm>> -> memref<125x80xi32, #tpu.memory_space<hbm>>
      %dma_wait3A_288 = arith.constant 0 : i32
      %dma_wait3A_289 = arith.constant 0 : i32
      %dma_wait3A_290 = tpu.memref_slice %arg3[%add3A, %dma_wait3A_288, %dma_wait3A_289] : memref<32x125x80xi32, #tpu.memory_space<hbm>> -> memref<1x125x80xi32, #tpu.memory_space<hbm>>
      %dma_wait3A_291 = tpu.memref_squeeze %dma_wait3A_290 : memref<1x125x80xi32, #tpu.memory_space<hbm>> -> memref<125x80xi32, #tpu.memory_space<hbm>>
      tpu.wait_dma2 semaphore(%run_scoped3A : memref<!tpu.dma_semaphore, #tpu.memory_space<semaphore_mem>>) src(%dma_wait3A_291 : memref<125x80xi32, #tpu.memory_space<hbm>>) dst(%arg5 : memref<125x80xi32, #tpu.memory_space<vmem>>)
      tpu.yield
    }) : () -> ()
    %barrier3A = arith.constant 0 : index
    tpu.barrier barrier_id(%barrier3A)
    %get3A = arith.constant 0 : i32
    %get3A_7 = arith.index_cast %get3A : i32 to index
    %get3A_8 = arith.constant 0 : index
    %get3A_9 = tpu.vector_load %arg5[%get3A_7, %get3A_8] {strides = array<i32>} : memref<125x80xi32, #tpu.memory_space<vmem>>, vector<1x16xi32>,
    %get3A_10 = vector.shape_cast %get3A_9 : vector<1x16xi32> to vector<16xi32>
    %and3A = arith.constant 16383 : i32
    %and3A_11 = vector.broadcast %and3A : i32 to vector<16xi32>
    %and3A_12 = arith.andi %get3A_10, %and3A_11 : vector<16xi32>
    %min3A = arith.constant 9999 : i32
    %min3A_13 = vector.broadcast %min3A : i32 to vector<16xi32>
    %min3A_14 = arith.minsi %and3A_12, %min3A_13 : vector<16xi32>
    %swap3A = arith.constant 0 : index
    %swap3A_15 = tpu.vector_load %arg6[%swap3A] {strides = array<i32>} : memref<80xi32, #tpu.memory_space<vmem>>, vector<16xi32>,
    %swap3A_16 = vector.shape_cast %swap3A_15 : vector<16xi32> to vector<16xi32>
    %swap3A_17 = vector.shape_cast %min3A_14 : vector<16xi32> to vector<16xi32>
    tpu.vector_store %arg6[%swap3A], %swap3A_17 {strides = array<i32>} : memref<80xi32, #tpu.memory_space<vmem>>, vector<16xi32>,
    %shift_right_logical3A = arith.constant 14 : i32
    %shift_right_logical3A_18 = vector.broadcast %shift_right_logical3A : i32 to vector<16xi32>
    %shift_right_logical3A_19 = arith.shrui %get3A_10, %shift_right_logical3A_18 : vector<16xi32>
    %min3A_20 = arith.constant 9999 : i32
    %min3A_21 = vector.broadcast %min3A_20 : i32 to vector<16xi32>
    %min3A_22 = arith.minsi %shift_right_logical3A_19, %min3A_21 : vector<16xi32>
    %swap3A_23 = arith.constant 0 : index
    %swap3A_24 = tpu.vector_load %arg7[%swap3A_23] {strides = array<i32>} : memref<80xi32, #tpu.memory_space<vmem>>, vector<16xi32>,
    %swap3A_25 = vector.shape_cast %swap3A_24 : vector<16xi32> to vector<16xi32>
    %swap3A_26 = vector.shape_cast %min3A_22 : vector<16xi32> to vector<16xi32>
    tpu.vector_store %arg7[%swap3A_23], %swap3A_26 {strides = array<i32>} : memref<80xi32, #tpu.memory_space<vmem>>, vector<16xi32>,
    %get3A_27 = arith.constant 0 : i32
    %get3A_28 = arith.index_cast %get3A_27 : i32 to index
    %get3A_29 = arith.constant 16 : index
    %get3A_30 = tpu.vector_load %arg5[%get3A_28, %get3A_29] {strides = array<i32>} : memref<125x80xi32, #tpu.memory_space<vmem>>, vector<1x16xi32>,
    %get3A_31 = vector.shape_cast %get3A_30 : vector<1x16xi32> to vector<16xi32>
    %and3A_32 = arith.constant 16383 : i32
    %and3A_33 = vector.broadcast %and3A_32 : i32 to vector<16xi32>
    %and3A_34 = arith.andi %get3A_31, %and3A_33 : vector<16xi32>
    %min3A_35 = arith.constant 9999 : i32
    %min3A_36 = vector.broadcast %min3A_35 : i32 to vector<16xi32>
    %min3A_37 = arith.minsi %and3A_34, %min3A_36 : vector<16xi32>
    %swap3A_38 = arith.constant 16 : index
    %swap3A_39 = tpu.vector_load %arg6[%swap3A_38] {strides = array<i32>} : memref<80xi32, #tpu.memory_space<vmem>>, vector<16xi32>,
    %swap3A_40 = vector.shape_cast %swap3A_39 : vector<16xi32> to vector<16xi32>
    %swap3A_41 = vector.shape_cast %min3A_37 : vector<16xi32> to vector<16xi32>
    tpu.vector_store %arg6[%swap3A_38], %swap3A_41 {strides = array<i32>} : memref<80xi32, #tpu.memory_space<vmem>>, vector<16xi32>,
    %shift_right_logical3A_42 = arith.constant 14 : i32
    %shift_right_logical3A_43 = vector.broadcast %shift_right_logical3A_42 : i32 to vector<16xi32>
    %shift_right_logical3A_44 = arith.shrui %get3A_31, %shift_right_logical3A_43 : vector<16xi32>
    %min3A_45 = arith.constant 9999 : i32
    %min3A_46 = vector.broadcast %min3A_45 : i32 to vector<16xi32>
    %min3A_47 = arith.minsi %shift_right_logical3A_44, %min3A_46 : vector<16xi32>
    %swap3A_48 = arith.constant 16 : index
    %swap3A_49 = tpu.vector_load %arg7[%swap3A_48] {strides = array<i32>} : memref<80xi32, #tpu.memory_space<vmem>>, vector<16xi32>,
    %swap3A_50 = vector.shape_cast %swap3A_49 : vector<16xi32> to vector<16xi32>
    %swap3A_51 = vector.shape_cast %min3A_47 : vector<16xi32> to vector<16xi32>
    tpu.vector_store %arg7[%swap3A_48], %swap3A_51 {strides = array<i32>} : memref<80xi32, #tpu.memory_space<vmem>>, vector<16xi32>,
    %get3A_52 = arith.constant 0 : i32
    %get3A_53 = arith.index_cast %get3A_52 : i32 to index
    %get3A_54 = arith.constant 32 : index
    %get3A_55 = tpu.vector_load %arg5[%get3A_53, %get3A_54] {strides = array<i32>} : memref<125x80xi32, #tpu.memory_space<vmem>>, vector<1x16xi32>,
    %get3A_56 = vector.shape_cast %get3A_55 : vector<1x16xi32> to vector<16xi32>
    %and3A_57 = arith.constant 16383 : i32
    %and3A_58 = vector.broadcast %and3A_57 : i32 to vector<16xi32>
    %and3A_59 = arith.andi %get3A_56, %and3A_58 : vector<16xi32>
    %min3A_60 = arith.constant 9999 : i32
    %min3A_61 = vector.broadcast %min3A_60 : i32 to vector<16xi32>
    %min3A_62 = arith.minsi %and3A_59, %min3A_61 : vector<16xi32>
    %swap3A_63 = arith.constant 32 : index
    %swap3A_64 = tpu.vector_load %arg6[%swap3A_63] {strides = array<i32>} : memref<80xi32, #tpu.memory_space<vmem>>, vector<16xi32>,
    %swap3A_65 = vector.shape_cast %swap3A_64 : vector<16xi32> to vector<16xi32>
    %swap3A_66 = vector.shape_cast %min3A_62 : vector<16xi32> to vector<16xi32>
    tpu.vector_store %arg6[%swap3A_63], %swap3A_66 {strides = array<i32>} : memref<80xi32, #tpu.memory_space<vmem>>, vector<16xi32>,
    %shift_right_logical3A_67 = arith.constant 14 : i32
    %shift_right_logical3A_68 = vector.broadcast %shift_right_logical3A_67 : i32 to vector<16xi32>
    %shift_right_logical3A_69 = arith.shrui %get3A_56, %shift_right_logical3A_68 : vector<16xi32>
    %min3A_70 = arith.constant 9999 : i32
    %min3A_71 = vector.broadcast %min3A_70 : i32 to vector<16xi32>
    %min3A_72 = arith.minsi %shift_right_logical3A_69, %min3A_71 : vector<16xi32>
    %swap3A_73 = arith.constant 32 : index
    %swap3A_74 = tpu.vector_load %arg7[%swap3A_73] {strides = array<i32>} : memref<80xi32, #tpu.memory_space<vmem>>, vector<16xi32>,
    %swap3A_75 = vector.shape_cast %swap3A_74 : vector<16xi32> to vector<16xi32>
    %swap3A_76 = vector.shape_cast %min3A_72 : vector<16xi32> to vector<16xi32>
    tpu.vector_store %arg7[%swap3A_73], %swap3A_76 {strides = array<i32>} : memref<80xi32, #tpu.memory_space<vmem>>, vector<16xi32>,
    %get3A_77 = arith.constant 0 : i32
    %get3A_78 = arith.index_cast %get3A_77 : i32 to index
    %get3A_79 = arith.constant 48 : index
    %get3A_80 = tpu.vector_load %arg5[%get3A_78, %get3A_79] {strides = array<i32>} : memref<125x80xi32, #tpu.memory_space<vmem>>, vector<1x16xi32>,
    %get3A_81 = vector.shape_cast %get3A_80 : vector<1x16xi32> to vector<16xi32>
    %and3A_82 = arith.constant 16383 : i32
    %and3A_83 = vector.broadcast %and3A_82 : i32 to vector<16xi32>
    %and3A_84 = arith.andi %get3A_81, %and3A_83 : vector<16xi32>
    %min3A_85 = arith.constant 9999 : i32
    %min3A_86 = vector.broadcast %min3A_85 : i32 to vector<16xi32>
    %min3A_87 = arith.minsi %and3A_84, %min3A_86 : vector<16xi32>
    %swap3A_88 = arith.constant 48 : index
    %swap3A_89 = tpu.vector_load %arg6[%swap3A_88] {strides = array<i32>} : memref<80xi32, #tpu.memory_space<vmem>>, vector<16xi32>,
    %swap3A_90 = vector.shape_cast %swap3A_89 : vector<16xi32> to vector<16xi32>
    %swap3A_91 = vector.shape_cast %min3A_87 : vector<16xi32> to vector<16xi32>
    tpu.vector_store %arg6[%swap3A_88], %swap3A_91 {strides = array<i32>} : memref<80xi32, #tpu.memory_space<vmem>>, vector<16xi32>,
    %shift_right_logical3A_92 = arith.constant 14 : i32
    %shift_right_logical3A_93 = vector.broadcast %shift_right_logical3A_92 : i32 to vector<16xi32>
    %shift_right_logical3A_94 = arith.shrui %get3A_81, %shift_right_logical3A_93 : vector<16xi32>
    %min3A_95 = arith.constant 9999 : i32
    %min3A_96 = vector.broadcast %min3A_95 : i32 to vector<16xi32>
    %min3A_97 = arith.minsi %shift_right_logical3A_94, %min3A_96 : vector<16xi32>
    %swap3A_98 = arith.constant 48 : index
    %swap3A_99 = tpu.vector_load %arg7[%swap3A_98] {strides = array<i32>} : memref<80xi32, #tpu.memory_space<vmem>>, vector<16xi32>,
    %swap3A_100 = vector.shape_cast %swap3A_99 : vector<16xi32> to vector<16xi32>
    %swap3A_101 = vector.shape_cast %min3A_97 : vector<16xi32> to vector<16xi32>
    tpu.vector_store %arg7[%swap3A_98], %swap3A_101 {strides = array<i32>} : memref<80xi32, #tpu.memory_space<vmem>>, vector<16xi32>,
    %get3A_102 = arith.constant 0 : i32
    %get3A_103 = arith.index_cast %get3A_102 : i32 to index
    %get3A_104 = arith.constant 64 : index
    %get3A_105 = tpu.vector_load %arg5[%get3A_103, %get3A_104] {strides = array<i32>} : memref<125x80xi32, #tpu.memory_space<vmem>>, vector<1x16xi32>,
    %get3A_106 = vector.shape_cast %get3A_105 : vector<1x16xi32> to vector<16xi32>
    %and3A_107 = arith.constant 16383 : i32
    %and3A_108 = vector.broadcast %and3A_107 : i32 to vector<16xi32>
    %and3A_109 = arith.andi %get3A_106, %and3A_108 : vector<16xi32>
    %min3A_110 = arith.constant 9999 : i32
    %min3A_111 = vector.broadcast %min3A_110 : i32 to vector<16xi32>
    %min3A_112 = arith.minsi %and3A_109, %min3A_111 : vector<16xi32>
    %swap3A_113 = arith.constant 64 : index
    %swap3A_114 = tpu.vector_load %arg6[%swap3A_113] {strides = array<i32>} : memref<80xi32, #tpu.memory_space<vmem>>, vector<16xi32>,
    %swap3A_115 = vector.shape_cast %swap3A_114 : vector<16xi32> to vector<16xi32>
    %swap3A_116 = vector.shape_cast %min3A_112 : vector<16xi32> to vector<16xi32>
    tpu.vector_store %arg6[%swap3A_113], %swap3A_116 {strides = array<i32>} : memref<80xi32, #tpu.memory_space<vmem>>, vector<16xi32>,
    %shift_right_logical3A_117 = arith.constant 14 : i32
    %shift_right_logical3A_118 = vector.broadcast %shift_right_logical3A_117 : i32 to vector<16xi32>
    %shift_right_logical3A_119 = arith.shrui %get3A_106, %shift_right_logical3A_118 : vector<16xi32>
    %min3A_120 = arith.constant 9999 : i32
    %min3A_121 = vector.broadcast %min3A_120 : i32 to vector<16xi32>
    %min3A_122 = arith.minsi %shift_right_logical3A_119, %min3A_121 : vector<16xi32>
    %swap3A_123 = arith.constant 64 : index
    %swap3A_124 = tpu.vector_load %arg7[%swap3A_123] {strides = array<i32>} : memref<80xi32, #tpu.memory_space<vmem>>, vector<16xi32>,
    %swap3A_125 = vector.shape_cast %swap3A_124 : vector<16xi32> to vector<16xi32>
    %swap3A_126 = vector.shape_cast %min3A_122 : vector<16xi32> to vector<16xi32>
    tpu.vector_store %arg7[%swap3A_123], %swap3A_126 {strides = array<i32>} : memref<80xi32, #tpu.memory_space<vmem>>, vector<16xi32>,
    %dma_start3A = arith.constant 0 : i32
    %dma_start3A_127 = arith.constant 0 : i32
    %dma_start3A_128 = tpu.memref_slice %arg2[%dma_start3A, %dma_start3A_127] : memref<10000x128xf32, #tpu.memory_space<hbm>> -> memref<10000x128xf32, #tpu.memory_space<hbm>>
    tpu.enqueue_indirect_dma source(%dma_start3A_128 : memref<10000x128xf32, #tpu.memory_space<hbm>>) target(%arg10 : memref<80x128xf32, #tpu.memory_space<vmem>>) offsets(%arg6 : memref<80xi32, #tpu.memory_space<vmem>>) semaphore(%arg13 : memref<!tpu.dma_semaphore, #tpu.memory_space<semaphore_mem>>)
    %get3A_129 = arith.constant 1 : i32
    %get3A_130 = arith.index_cast %get3A_129 : i32 to index
    %get3A_131 = arith.constant 0 : index
    %get3A_132 = tpu.vector_load %arg5[%get3A_130, %get3A_131] {strides = array<i32>} : memref<125x80xi32, #tpu.memory_space<vmem>>, vector<1x16xi32>,
    %get3A_133 = vector.shape_cast %get3A_132 : vector<1x16xi32> to vector<16xi32>
    %and3A_134 = arith.constant 16383 : i32
    %and3A_135 = vector.broadcast %and3A_134 : i32 to vector<16xi32>
    %and3A_136 = arith.andi %get3A_133, %and3A_135 : vector<16xi32>
    %min3A_137 = arith.constant 9999 : i32
    %min3A_138 = vector.broadcast %min3A_137 : i32 to vector<16xi32>
    %min3A_139 = arith.minsi %and3A_136, %min3A_138 : vector<16xi32>
    %swap3A_140 = arith.constant 0 : index
    %swap3A_141 = tpu.vector_load %arg8[%swap3A_140] {strides = array<i32>} : memref<80xi32, #tpu.memory_space<vmem>>, vector<16xi32>,
    %swap3A_142 = vector.shape_cast %swap3A_141 : vector<16xi32> to vector<16xi32>
    %swap3A_143 = vector.shape_cast %min3A_139 : vector<16xi32> to vector<16xi32>
    tpu.vector_store %arg8[%swap3A_140], %swap3A_143 {strides = array<i32>} : memref<80xi32, #tpu.memory_space<vmem>>, vector<16xi32>,
    %shift_right_logical3A_144 = arith.constant 14 : i32
    %shift_right_logical3A_145 = vector.broadcast %shift_right_logical3A_144 : i32 to vector<16xi32>
    %shift_right_logical3A_146 = arith.shrui %get3A_133, %shift_right_logical3A_145 : vector<16xi32>
    %min3A_147 = arith.constant 9999 : i32
    %min3A_148 = vector.broadcast %min3A_147 : i32 to vector<16xi32>
    %min3A_149 = arith.minsi %shift_right_logical3A_146, %min3A_148 : vector<16xi32>
    %swap3A_150 = arith.constant 0 : index
    %swap3A_151 = tpu.vector_load %arg9[%swap3A_150] {strides = array<i32>} : memref<80xi32, #tpu.memory_space<vmem>>, vector<16xi32>,
    %swap3A_152 = vector.shape_cast %swap3A_151 : vector<16xi32> to vector<16xi32>
    %swap3A_153 = vector.shape_cast %min3A_149 : vector<16xi32> to vector<16xi32>
    tpu.vector_store %arg9[%swap3A_150], %swap3A_153 {strides = array<i32>} : memref<80xi32, #tpu.memory_space<vmem>>, vector<16xi32>,
    %get3A_154 = arith.constant 1 : i32
    %get3A_155 = arith.index_cast %get3A_154 : i32 to index
    %get3A_156 = arith.constant 16 : index
    %get3A_157 = tpu.vector_load %arg5[%get3A_155, %get3A_156] {strides = array<i32>} : memref<125x80xi32, #tpu.memory_space<vmem>>, vector<1x16xi32>,
    %get3A_158 = vector.shape_cast %get3A_157 : vector<1x16xi32> to vector<16xi32>
    %and3A_159 = arith.constant 16383 : i32
    %and3A_160 = vector.broadcast %and3A_159 : i32 to vector<16xi32>
    %and3A_161 = arith.andi %get3A_158, %and3A_160 : vector<16xi32>
    %min3A_162 = arith.constant 9999 : i32
    %min3A_163 = vector.broadcast %min3A_162 : i32 to vector<16xi32>
    %min3A_164 = arith.minsi %and3A_161, %min3A_163 : vector<16xi32>
    %swap3A_165 = arith.constant 16 : index
    %swap3A_166 = tpu.vector_load %arg8[%swap3A_165] {strides = array<i32>} : memref<80xi32, #tpu.memory_space<vmem>>, vector<16xi32>,
    %swap3A_167 = vector.shape_cast %swap3A_166 : vector<16xi32> to vector<16xi32>
    %swap3A_168 = vector.shape_cast %min3A_164 : vector<16xi32> to vector<16xi32>
    tpu.vector_store %arg8[%swap3A_165], %swap3A_168 {strides = array<i32>} : memref<80xi32, #tpu.memory_space<vmem>>, vector<16xi32>,
    %shift_right_logical3A_169 = arith.constant 14 : i32
    %shift_right_logical3A_170 = vector.broadcast %shift_right_logical3A_169 : i32 to vector<16xi32>
    %shift_right_logical3A_171 = arith.shrui %get3A_158, %shift_right_logical3A_170 : vector<16xi32>
    %min3A_172 = arith.constant 9999 : i32
    %min3A_173 = vector.broadcast %min3A_172 : i32 to vector<16xi32>
    %min3A_174 = arith.minsi %shift_right_logical3A_171, %min3A_173 : vector<16xi32>
    %swap3A_175 = arith.constant 16 : index
    %swap3A_176 = tpu.vector_load %arg9[%swap3A_175] {strides = array<i32>} : memref<80xi32, #tpu.memory_space<vmem>>, vector<16xi32>,
    %swap3A_177 = vector.shape_cast %swap3A_176 : vector<16xi32> to vector<16xi32>
    %swap3A_178 = vector.shape_cast %min3A_174 : vector<16xi32> to vector<16xi32>
    tpu.vector_store %arg9[%swap3A_175], %swap3A_178 {strides = array<i32>} : memref<80xi32, #tpu.memory_space<vmem>>, vector<16xi32>,
    %get3A_179 = arith.constant 1 : i32
    %get3A_180 = arith.index_cast %get3A_179 : i32 to index
    %get3A_181 = arith.constant 32 : index
    %get3A_182 = tpu.vector_load %arg5[%get3A_180, %get3A_181] {strides = array<i32>} : memref<125x80xi32, #tpu.memory_space<vmem>>, vector<1x16xi32>,
    %get3A_183 = vector.shape_cast %get3A_182 : vector<1x16xi32> to vector<16xi32>
    %and3A_184 = arith.constant 16383 : i32
    %and3A_185 = vector.broadcast %and3A_184 : i32 to vector<16xi32>
    %and3A_186 = arith.andi %get3A_183, %and3A_185 : vector<16xi32>
    %min3A_187 = arith.constant 9999 : i32
    %min3A_188 = vector.broadcast %min3A_187 : i32 to vector<16xi32>
    %min3A_189 = arith.minsi %and3A_186, %min3A_188 : vector<16xi32>
    %swap3A_190 = arith.constant 32 : index
    %swap3A_191 = tpu.vector_load %arg8[%swap3A_190] {strides = array<i32>} : memref<80xi32, #tpu.memory_space<vmem>>, vector<16xi32>,
    %swap3A_192 = vector.shape_cast %swap3A_191 : vector<16xi32> to vector<16xi32>
    %swap3A_193 = vector.shape_cast %min3A_189 : vector<16xi32> to vector<16xi32>
    tpu.vector_store %arg8[%swap3A_190], %swap3A_193 {strides = array<i32>} : memref<80xi32, #tpu.memory_space<vmem>>, vector<16xi32>,
    %shift_right_logical3A_194 = arith.constant 14 : i32
    %shift_right_logical3A_195 = vector.broadcast %shift_right_logical3A_194 : i32 to vector<16xi32>
    %shift_right_logical3A_196 = arith.shrui %get3A_183, %shift_right_logical3A_195 : vector<16xi32>
    %min3A_197 = arith.constant 9999 : i32
    %min3A_198 = vector.broadcast %min3A_197 : i32 to vector<16xi32>
    %min3A_199 = arith.minsi %shift_right_logical3A_196, %min3A_198 : vector<16xi32>
    %swap3A_200 = arith.constant 32 : index
    %swap3A_201 = tpu.vector_load %arg9[%swap3A_200] {strides = array<i32>} : memref<80xi32, #tpu.memory_space<vmem>>, vector<16xi32>,
    %swap3A_202 = vector.shape_cast %swap3A_201 : vector<16xi32> to vector<16xi32>
    %swap3A_203 = vector.shape_cast %min3A_199 : vector<16xi32> to vector<16xi32>
    tpu.vector_store %arg9[%swap3A_200], %swap3A_203 {strides = array<i32>} : memref<80xi32, #tpu.memory_space<vmem>>, vector<16xi32>,
    %get3A_204 = arith.constant 1 : i32
    %get3A_205 = arith.index_cast %get3A_204 : i32 to index
    %get3A_206 = arith.constant 48 : index
    %get3A_207 = tpu.vector_load %arg5[%get3A_205, %get3A_206] {strides = array<i32>} : memref<125x80xi32, #tpu.memory_space<vmem>>, vector<1x16xi32>,
    %get3A_208 = vector.shape_cast %get3A_207 : vector<1x16xi32> to vector<16xi32>
    %and3A_209 = arith.constant 16383 : i32
    %and3A_210 = vector.broadcast %and3A_209 : i32 to vector<16xi32>
    %and3A_211 = arith.andi %get3A_208, %and3A_210 : vector<16xi32>
    %min3A_212 = arith.constant 9999 : i32
    %min3A_213 = vector.broadcast %min3A_212 : i32 to vector<16xi32>
    %min3A_214 = arith.minsi %and3A_211, %min3A_213 : vector<16xi32>
    %swap3A_215 = arith.constant 48 : index
    %swap3A_216 = tpu.vector_load %arg8[%swap3A_215] {strides = array<i32>} : memref<80xi32, #tpu.memory_space<vmem>>, vector<16xi32>,
    %swap3A_217 = vector.shape_cast %swap3A_216 : vector<16xi32> to vector<16xi32>
    %swap3A_218 = vector.shape_cast %min3A_214 : vector<16xi32> to vector<16xi32>
    tpu.vector_store %arg8[%swap3A_215], %swap3A_218 {strides = array<i32>} : memref<80xi32, #tpu.memory_space<vmem>>, vector<16xi32>,
    %shift_right_logical3A_219 = arith.constant 14 : i32
    %shift_right_logical3A_220 = vector.broadcast %shift_right_logical3A_219 : i32 to vector<16xi32>
    %shift_right_logical3A_221 = arith.shrui %get3A_208, %shift_right_logical3A_220 : vector<16xi32>
    %min3A_222 = arith.constant 9999 : i32
    %min3A_223 = vector.broadcast %min3A_222 : i32 to vector<16xi32>
    %min3A_224 = arith.minsi %shift_right_logical3A_221, %min3A_223 : vector<16xi32>
    %swap3A_225 = arith.constant 48 : index
    %swap3A_226 = tpu.vector_load %arg9[%swap3A_225] {strides = array<i32>} : memref<80xi32, #tpu.memory_space<vmem>>, vector<16xi32>,
    %swap3A_227 = vector.shape_cast %swap3A_226 : vector<16xi32> to vector<16xi32>
    %swap3A_228 = vector.shape_cast %min3A_224 : vector<16xi32> to vector<16xi32>
    tpu.vector_store %arg9[%swap3A_225], %swap3A_228 {strides = array<i32>} : memref<80xi32, #tpu.memory_space<vmem>>, vector<16xi32>,
    %get3A_229 = arith.constant 1 : i32
    %get3A_230 = arith.index_cast %get3A_229 : i32 to index
    %get3A_231 = arith.constant 64 : index
    %get3A_232 = tpu.vector_load %arg5[%get3A_230, %get3A_231] {strides = array<i32>} : memref<125x80xi32, #tpu.memory_space<vmem>>, vector<1x16xi32>,
    %get3A_233 = vector.shape_cast %get3A_232 : vector<1x16xi32> to vector<16xi32>
    %and3A_234 = arith.constant 16383 : i32
    %and3A_235 = vector.broadcast %and3A_234 : i32 to vector<16xi32>
    %and3A_236 = arith.andi %get3A_233, %and3A_235 : vector<16xi32>
    %min3A_237 = arith.constant 9999 : i32
    %min3A_238 = vector.broadcast %min3A_237 : i32 to vector<16xi32>
    %min3A_239 = arith.minsi %and3A_236, %min3A_238 : vector<16xi32>
    %swap3A_240 = arith.constant 64 : index
    %swap3A_241 = tpu.vector_load %arg8[%swap3A_240] {strides = array<i32>} : memref<80xi32, #tpu.memory_space<vmem>>, vector<16xi32>,
    %swap3A_242 = vector.shape_cast %swap3A_241 : vector<16xi32> to vector<16xi32>
    %swap3A_243 = vector.shape_cast %min3A_239 : vector<16xi32> to vector<16xi32>
    tpu.vector_store %arg8[%swap3A_240], %swap3A_243 {strides = array<i32>} : memref<80xi32, #tpu.memory_space<vmem>>, vector<16xi32>,
    %shift_right_logical3A_244 = arith.constant 14 : i32
    %shift_right_logical3A_245 = vector.broadcast %shift_right_logical3A_244 : i32 to vector<16xi32>
    %shift_right_logical3A_246 = arith.shrui %get3A_233, %shift_right_logical3A_245 : vector<16xi32>
    %min3A_247 = arith.constant 9999 : i32
    %min3A_248 = vector.broadcast %min3A_247 : i32 to vector<16xi32>
    %min3A_249 = arith.minsi %shift_right_logical3A_246, %min3A_248 : vector<16xi32>
    %swap3A_250 = arith.constant 64 : index
    %swap3A_251 = tpu.vector_load %arg9[%swap3A_250] {strides = array<i32>} : memref<80xi32, #tpu.memory_space<vmem>>, vector<16xi32>,
    %swap3A_252 = vector.shape_cast %swap3A_251 : vector<16xi32> to vector<16xi32>
    %swap3A_253 = vector.shape_cast %min3A_249 : vector<16xi32> to vector<16xi32>
    tpu.vector_store %arg9[%swap3A_250], %swap3A_253 {strides = array<i32>} : memref<80xi32, #tpu.memory_space<vmem>>, vector<16xi32>,
    %dma_start3A_254 = arith.constant 0 : i32
    %dma_start3A_255 = arith.constant 0 : i32
    %dma_start3A_256 = tpu.memref_slice %arg2[%dma_start3A_254, %dma_start3A_255] : memref<10000x128xf32, #tpu.memory_space<hbm>> -> memref<10000x128xf32, #tpu.memory_space<hbm>>
    tpu.enqueue_indirect_dma source(%dma_start3A_256 : memref<10000x128xf32, #tpu.memory_space<hbm>>) target(%arg11 : memref<80x128xf32, #tpu.memory_space<vmem>>) offsets(%arg8 : memref<80xi32, #tpu.memory_space<vmem>>) semaphore(%arg14 : memref<!tpu.dma_semaphore, #tpu.memory_space<semaphore_mem>>)
    %scan3A = arith.constant 0 : i32
    %scan3A_257 = arith.constant 63 : i32
    %scan3A_258 = arith.addi %scan3A, %scan3A_257 : i32
    %scan3A_259 = arith.constant 1 : i32
    scf.for %scan3A_276 = %scan3A to %scan3A_258 step %scan3A_259  : i32 {
      %mul3A_277 = arith.constant 2 : i32
      %mul3A_278 = arith.muli %scan3A_276, %mul3A_277 : i32
      %add3A_279 = arith.constant 0 : i32
      %add3A_280 = arith.addi %add3A_279, %mul3A_278 : i32
      %dma_wait3A_281 = arith.constant 0 : i32
      %dma_wait3A_282 = arith.constant 0 : i32
      %dma_wait3A_283 = tpu.memref_slice %arg2[%dma_wait3A_281, %dma_wait3A_282] : memref<10000x128xf32, #tpu.memory_space<hbm>> -> memref<10000x128xf32, #tpu.memory_space<hbm>>
      tpu.wait_indirect_dma semaphore(%arg13 : memref<!tpu.dma_semaphore, #tpu.memory_space<semaphore_mem>>) src(%dma_wait3A_283 : memref<10000x128xf32, #tpu.memory_space<hbm>>) dst(%arg10 : memref<80x128xf32, #tpu.memory_space<vmem>>)
      %dma_start3A_284 = arith.constant 0 : i32
      %dma_start3A_285 = arith.constant 0 : i32
      %dma_start3A_286 = tpu.memref_slice %arg12[%dma_start3A_284, %dma_start3A_285] : memref<10000x128xf32, #tpu.memory_space<vmem_shared>> -> memref<10000x128xf32, #tpu.memory_space<vmem_shared>>
      tpu.enqueue_indirect_dma source(%arg10 : memref<80x128xf32, #tpu.memory_space<vmem>>) target(%dma_start3A_286 : memref<10000x128xf32, #tpu.memory_space<vmem_shared>>) offsets(%arg7 : memref<80xi32, #tpu.memory_space<vmem>>) semaphore(%arg15 : memref<!tpu.dma_semaphore, #tpu.memory_space<semaphore_mem>>) {add = true}
      %add3A_287 = arith.constant 1 : i32
      %add3A_288 = arith.addi %add3A_280, %add3A_287 : i32
      %lt3A = arith.constant 125 : i32
      %lt3A_289 = arith.cmpi slt, %add3A_288, %lt3A : i32
      %convert_element_type3A_290 = arith.extui %lt3A_289 : i1 to i32
      %cond3A_291 = arith.constant 0 : i32
      %cond3A_292 = arith.cmpi ne, %convert_element_type3A_290, %cond3A_291 : i32
      scf.if %cond3A_292 {
        %dma_wait3A_307 = arith.constant 0 : i32
        %dma_wait3A_308 = arith.constant 0 : i32
        %dma_wait3A_309 = tpu.memref_slice %arg2[%dma_wait3A_307, %dma_wait3A_308] : memref<10000x128xf32, #tpu.memory_space<hbm>> -> memref<10000x128xf32, #tpu.memory_space<hbm>>
        tpu.wait_indirect_dma semaphore(%arg14 : memref<!tpu.dma_semaphore, #tpu.memory_space<semaphore_mem>>) src(%dma_wait3A_309 : memref<10000x128xf32, #tpu.memory_space<hbm>>) dst(%arg11 : memref<80x128xf32, #tpu.memory_space<vmem>>)
        %dma_start3A_310 = arith.constant 0 : i32
        %dma_start3A_311 = arith.constant 0 : i32
        %dma_start3A_312 = tpu.memref_slice %arg12[%dma_start3A_310, %dma_start3A_311] : memref<10000x128xf32, #tpu.memory_space<vmem_shared>> -> memref<10000x128xf32, #tpu.memory_space<vmem_shared>>
        tpu.enqueue_indirect_dma source(%arg11 : memref<80x128xf32, #tpu.memory_space<vmem>>) target(%dma_start3A_312 : memref<10000x128xf32, #tpu.memory_space<vmem_shared>>) offsets(%arg9 : memref<80xi32, #tpu.memory_space<vmem>>) semaphore(%arg16 : memref<!tpu.dma_semaphore, #tpu.memory_space<semaphore_mem>>) {add = true}
      } else {
      }
      %add3A_293 = arith.constant 2 : i32
      %add3A_294 = arith.addi %add3A_280, %add3A_293 : i32
      %lt3A_295 = arith.constant 125 : i32
      %lt3A_296 = arith.cmpi slt, %add3A_294, %lt3A_295 : i32
      %convert_element_type3A_297 = arith.extui %lt3A_296 : i1 to i32
      %cond3A_298 = arith.constant 0 : i32
      %cond3A_299 = arith.cmpi ne, %convert_element_type3A_297, %cond3A_298 : i32
      scf.if %cond3A_299 {
        %dma_wait3A_307 = arith.constant 0 : i32
        %dma_wait3A_308 = arith.constant 0 : i32
        %dma_wait3A_309 = tpu.memref_slice %arg12[%dma_wait3A_307, %dma_wait3A_308] : memref<10000x128xf32, #tpu.memory_space<vmem_shared>> -> memref<10000x128xf32, #tpu.memory_space<vmem_shared>>
        tpu.wait_indirect_dma semaphore(%arg15 : memref<!tpu.dma_semaphore, #tpu.memory_space<semaphore_mem>>) src(%arg10 : memref<80x128xf32, #tpu.memory_space<vmem>>) dst(%dma_wait3A_309 : memref<10000x128xf32, #tpu.memory_space<vmem_shared>>)
        %add3A_310 = arith.constant 2 : i32
        %add3A_311 = arith.addi %add3A_280, %add3A_310 : i32
        %get3A_312 = arith.index_cast %add3A_311 : i32 to index
        %get3A_313 = arith.constant 0 : index
        %get3A_314 = tpu.vector_load %arg5[%get3A_312, %get3A_313] {strides = array<i32>} : memref<125x80xi32, #tpu.memory_space<vmem>>, vector<1x16xi32>,
        %get3A_315 = vector.shape_cast %get3A_314 : vector<1x16xi32> to vector<16xi32>
        %and3A_316 = arith.constant 16383 : i32
        %and3A_317 = vector.broadcast %and3A_316 : i32 to vector<16xi32>
        %and3A_318 = arith.andi %get3A_315, %and3A_317 : vector<16xi32>
        %min3A_319 = arith.constant 9999 : i32
        %min3A_320 = vector.broadcast %min3A_319 : i32 to vector<16xi32>
        %min3A_321 = arith.minsi %and3A_318, %min3A_320 : vector<16xi32>
        %swap3A_322 = arith.constant 0 : index
        %swap3A_323 = tpu.vector_load %arg6[%swap3A_322] {strides = array<i32>} : memref<80xi32, #tpu.memory_space<vmem>>, vector<16xi32>,
        %swap3A_324 = vector.shape_cast %swap3A_323 : vector<16xi32> to vector<16xi32>
        %swap3A_325 = vector.shape_cast %min3A_321 : vector<16xi32> to vector<16xi32>
        tpu.vector_store %arg6[%swap3A_322], %swap3A_325 {strides = array<i32>} : memref<80xi32, #tpu.memory_space<vmem>>, vector<16xi32>,
        %shift_right_logical3A_326 = arith.constant 14 : i32
        %shift_right_logical3A_327 = vector.broadcast %shift_right_logical3A_326 : i32 to vector<16xi32>
        %shift_right_logical3A_328 = arith.shrui %get3A_315, %shift_right_logical3A_327 : vector<16xi32>
        %min3A_329 = arith.constant 9999 : i32
        %min3A_330 = vector.broadcast %min3A_329 : i32 to vector<16xi32>
        %min3A_331 = arith.minsi %shift_right_logical3A_328, %min3A_330 : vector<16xi32>
        %swap3A_332 = arith.constant 0 : index
        %swap3A_333 = tpu.vector_load %arg7[%swap3A_332] {strides = array<i32>} : memref<80xi32, #tpu.memory_space<vmem>>, vector<16xi32>,
        %swap3A_334 = vector.shape_cast %swap3A_333 : vector<16xi32> to vector<16xi32>
        %swap3A_335 = vector.shape_cast %min3A_331 : vector<16xi32> to vector<16xi32>
        tpu.vector_store %arg7[%swap3A_332], %swap3A_335 {strides = array<i32>} : memref<80xi32, #tpu.memory_space<vmem>>, vector<16xi32>,
        %get3A_336 = arith.index_cast %add3A_311 : i32 to index
        %get3A_337 = arith.constant 16 : index
        %get3A_338 = tpu.vector_load %arg5[%get3A_336, %get3A_337] {strides = array<i32>} : memref<125x80xi32, #tpu.memory_space<vmem>>, vector<1x16xi32>,
        %get3A_339 = vector.shape_cast %get3A_338 : vector<1x16xi32> to vector<16xi32>
        %and3A_340 = arith.constant 16383 : i32
        %and3A_341 = vector.broadcast %and3A_340 : i32 to vector<16xi32>
        %and3A_342 = arith.andi %get3A_339, %and3A_341 : vector<16xi32>
        %min3A_343 = arith.constant 9999 : i32
        %min3A_344 = vector.broadcast %min3A_343 : i32 to vector<16xi32>
        %min3A_345 = arith.minsi %and3A_342, %min3A_344 : vector<16xi32>
        %swap3A_346 = arith.constant 16 : index
        %swap3A_347 = tpu.vector_load %arg6[%swap3A_346] {strides = array<i32>} : memref<80xi32, #tpu.memory_space<vmem>>, vector<16xi32>,
        %swap3A_348 = vector.shape_cast %swap3A_347 : vector<16xi32> to vector<16xi32>
        %swap3A_349 = vector.shape_cast %min3A_345 : vector<16xi32> to vector<16xi32>
        tpu.vector_store %arg6[%swap3A_346], %swap3A_349 {strides = array<i32>} : memref<80xi32, #tpu.memory_space<vmem>>, vector<16xi32>,
        %shift_right_logical3A_350 = arith.constant 14 : i32
        %shift_right_logical3A_351 = vector.broadcast %shift_right_logical3A_350 : i32 to vector<16xi32>
        %shift_right_logical3A_352 = arith.shrui %get3A_339, %shift_right_logical3A_351 : vector<16xi32>
        %min3A_353 = arith.constant 9999 : i32
        %min3A_354 = vector.broadcast %min3A_353 : i32 to vector<16xi32>
        %min3A_355 = arith.minsi %shift_right_logical3A_352, %min3A_354 : vector<16xi32>
        %swap3A_356 = arith.constant 16 : index
        %swap3A_357 = tpu.vector_load %arg7[%swap3A_356] {strides = array<i32>} : memref<80xi32, #tpu.memory_space<vmem>>, vector<16xi32>,
        %swap3A_358 = vector.shape_cast %swap3A_357 : vector<16xi32> to vector<16xi32>
        %swap3A_359 = vector.shape_cast %min3A_355 : vector<16xi32> to vector<16xi32>
        tpu.vector_store %arg7[%swap3A_356], %swap3A_359 {strides = array<i32>} : memref<80xi32, #tpu.memory_space<vmem>>, vector<16xi32>,
        %get3A_360 = arith.index_cast %add3A_311 : i32 to index
        %get3A_361 = arith.constant 32 : index
        %get3A_362 = tpu.vector_load %arg5[%get3A_360, %get3A_361] {strides = array<i32>} : memref<125x80xi32, #tpu.memory_space<vmem>>, vector<1x16xi32>,
        %get3A_363 = vector.shape_cast %get3A_362 : vector<1x16xi32> to vector<16xi32>
        %and3A_364 = arith.constant 16383 : i32
        %and3A_365 = vector.broadcast %and3A_364 : i32 to vector<16xi32>
        %and3A_366 = arith.andi %get3A_363, %and3A_365 : vector<16xi32>
        %min3A_367 = arith.constant 9999 : i32
        %min3A_368 = vector.broadcast %min3A_367 : i32 to vector<16xi32>
        %min3A_369 = arith.minsi %and3A_366, %min3A_368 : vector<16xi32>
        %swap3A_370 = arith.constant 32 : index
        %swap3A_371 = tpu.vector_load %arg6[%swap3A_370] {strides = array<i32>} : memref<80xi32, #tpu.memory_space<vmem>>, vector<16xi32>,
        %swap3A_372 = vector.shape_cast %swap3A_371 : vector<16xi32> to vector<16xi32>
        %swap3A_373 = vector.shape_cast %min3A_369 : vector<16xi32> to vector<16xi32>
        tpu.vector_store %arg6[%swap3A_370], %swap3A_373 {strides = array<i32>} : memref<80xi32, #tpu.memory_space<vmem>>, vector<16xi32>,
        %shift_right_logical3A_374 = arith.constant 14 : i32
        %shift_right_logical3A_375 = vector.broadcast %shift_right_logical3A_374 : i32 to vector<16xi32>
        %shift_right_logical3A_376 = arith.shrui %get3A_363, %shift_right_logical3A_375 : vector<16xi32>
        %min3A_377 = arith.constant 9999 : i32
        %min3A_378 = vector.broadcast %min3A_377 : i32 to vector<16xi32>
        %min3A_379 = arith.minsi %shift_right_logical3A_376, %min3A_378 : vector<16xi32>
        %swap3A_380 = arith.constant 32 : index
        %swap3A_381 = tpu.vector_load %arg7[%swap3A_380] {strides = array<i32>} : memref<80xi32, #tpu.memory_space<vmem>>, vector<16xi32>,
        %swap3A_382 = vector.shape_cast %swap3A_381 : vector<16xi32> to vector<16xi32>
        %swap3A_383 = vector.shape_cast %min3A_379 : vector<16xi32> to vector<16xi32>
        tpu.vector_store %arg7[%swap3A_380], %swap3A_383 {strides = array<i32>} : memref<80xi32, #tpu.memory_space<vmem>>, vector<16xi32>,
        %get3A_384 = arith.index_cast %add3A_311 : i32 to index
        %get3A_385 = arith.constant 48 : index
        %get3A_386 = tpu.vector_load %arg5[%get3A_384, %get3A_385] {strides = array<i32>} : memref<125x80xi32, #tpu.memory_space<vmem>>, vector<1x16xi32>,
        %get3A_387 = vector.shape_cast %get3A_386 : vector<1x16xi32> to vector<16xi32>
        %and3A_388 = arith.constant 16383 : i32
        %and3A_389 = vector.broadcast %and3A_388 : i32 to vector<16xi32>
        %and3A_390 = arith.andi %get3A_387, %and3A_389 : vector<16xi32>
        %min3A_391 = arith.constant 9999 : i32
        %min3A_392 = vector.broadcast %min3A_391 : i32 to vector<16xi32>
        %min3A_393 = arith.minsi %and3A_390, %min3A_392 : vector<16xi32>
        %swap3A_394 = arith.constant 48 : index
        %swap3A_395 = tpu.vector_load %arg6[%swap3A_394] {strides = array<i32>} : memref<80xi32, #tpu.memory_space<vmem>>, vector<16xi32>,
        %swap3A_396 = vector.shape_cast %swap3A_395 : vector<16xi32> to vector<16xi32>
        %swap3A_397 = vector.shape_cast %min3A_393 : vector<16xi32> to vector<16xi32>
        tpu.vector_store %arg6[%swap3A_394], %swap3A_397 {strides = array<i32>} : memref<80xi32, #tpu.memory_space<vmem>>, vector<16xi32>,
        %shift_right_logical3A_398 = arith.constant 14 : i32
        %shift_right_logical3A_399 = vector.broadcast %shift_right_logical3A_398 : i32 to vector<16xi32>
        %shift_right_logical3A_400 = arith.shrui %get3A_387, %shift_right_logical3A_399 : vector<16xi32>
        %min3A_401 = arith.constant 9999 : i32
        %min3A_402 = vector.broadcast %min3A_401 : i32 to vector<16xi32>
        %min3A_403 = arith.minsi %shift_right_logical3A_400, %min3A_402 : vector<16xi32>
        %swap3A_404 = arith.constant 48 : index
        %swap3A_405 = tpu.vector_load %arg7[%swap3A_404] {strides = array<i32>} : memref<80xi32, #tpu.memory_space<vmem>>, vector<16xi32>,
        %swap3A_406 = vector.shape_cast %swap3A_405 : vector<16xi32> to vector<16xi32>
        %swap3A_407 = vector.shape_cast %min3A_403 : vector<16xi32> to vector<16xi32>
        tpu.vector_store %arg7[%swap3A_404], %swap3A_407 {strides = array<i32>} : memref<80xi32, #tpu.memory_space<vmem>>, vector<16xi32>,
        %get3A_408 = arith.index_cast %add3A_311 : i32 to index
        %get3A_409 = arith.constant 64 : index
        %get3A_410 = tpu.vector_load %arg5[%get3A_408, %get3A_409] {strides = array<i32>} : memref<125x80xi32, #tpu.memory_space<vmem>>, vector<1x16xi32>,
        %get3A_411 = vector.shape_cast %get3A_410 : vector<1x16xi32> to vector<16xi32>
        %and3A_412 = arith.constant 16383 : i32
        %and3A_413 = vector.broadcast %and3A_412 : i32 to vector<16xi32>
        %and3A_414 = arith.andi %get3A_411, %and3A_413 : vector<16xi32>
        %min3A_415 = arith.constant 9999 : i32
        %min3A_416 = vector.broadcast %min3A_415 : i32 to vector<16xi32>
        %min3A_417 = arith.minsi %and3A_414, %min3A_416 : vector<16xi32>
        %swap3A_418 = arith.constant 64 : index
        %swap3A_419 = tpu.vector_load %arg6[%swap3A_418] {strides = array<i32>} : memref<80xi32, #tpu.memory_space<vmem>>, vector<16xi32>,
        %swap3A_420 = vector.shape_cast %swap3A_419 : vector<16xi32> to vector<16xi32>
        %swap3A_421 = vector.shape_cast %min3A_417 : vector<16xi32> to vector<16xi32>
        tpu.vector_store %arg6[%swap3A_418], %swap3A_421 {strides = array<i32>} : memref<80xi32, #tpu.memory_space<vmem>>, vector<16xi32>,
        %shift_right_logical3A_422 = arith.constant 14 : i32
        %shift_right_logical3A_423 = vector.broadcast %shift_right_logical3A_422 : i32 to vector<16xi32>
        %shift_right_logical3A_424 = arith.shrui %get3A_411, %shift_right_logical3A_423 : vector<16xi32>
        %min3A_425 = arith.constant 9999 : i32
        %min3A_426 = vector.broadcast %min3A_425 : i32 to vector<16xi32>
        %min3A_427 = arith.minsi %shift_right_logical3A_424, %min3A_426 : vector<16xi32>
        %swap3A_428 = arith.constant 64 : index
        %swap3A_429 = tpu.vector_load %arg7[%swap3A_428] {strides = array<i32>} : memref<80xi32, #tpu.memory_space<vmem>>, vector<16xi32>,
        %swap3A_430 = vector.shape_cast %swap3A_429 : vector<16xi32> to vector<16xi32>
        %swap3A_431 = vector.shape_cast %min3A_427 : vector<16xi32> to vector<16xi32>
        tpu.vector_store %arg7[%swap3A_428], %swap3A_431 {strides = array<i32>} : memref<80xi32, #tpu.memory_space<vmem>>, vector<16xi32>,
        %dma_start3A_432 = arith.constant 0 : i32
        %dma_start3A_433 = arith.constant 0 : i32
        %dma_start3A_434 = tpu.memref_slice %arg2[%dma_start3A_432, %dma_start3A_433] : memref<10000x128xf32, #tpu.memory_space<hbm>> -> memref<10000x128xf32, #tpu.memory_space<hbm>>
        tpu.enqueue_indirect_dma source(%dma_start3A_434 : memref<10000x128xf32, #tpu.memory_space<hbm>>) target(%arg10 : memref<80x128xf32, #tpu.memory_space<vmem>>) offsets(%arg6 : memref<80xi32, #tpu.memory_space<vmem>>) semaphore(%arg13 : memref<!tpu.dma_semaphore, #tpu.memory_space<semaphore_mem>>)
      } else {
      }
      %add3A_300 = arith.constant 3 : i32
      %add3A_301 = arith.addi %add3A_280, %add3A_300 : i32
      %lt3A_302 = arith.constant 125 : i32
      %lt3A_303 = arith.cmpi slt, %add3A_301, %lt3A_302 : i32
      %convert_element_type3A_304 = arith.extui %lt3A_303 : i1 to i32
      %cond3A_305 = arith.constant 0 : i32
      %cond3A_306 = arith.cmpi ne, %convert_element_type3A_304, %cond3A_305 : i32
      scf.if %cond3A_306 {
        %dma_wait3A_307 = arith.constant 0 : i32
        %dma_wait3A_308 = arith.constant 0 : i32
        %dma_wait3A_309 = tpu.memref_slice %arg12[%dma_wait3A_307, %dma_wait3A_308] : memref<10000x128xf32, #tpu.memory_space<vmem_shared>> -> memref<10000x128xf32, #tpu.memory_space<vmem_shared>>
        tpu.wait_indirect_dma semaphore(%arg16 : memref<!tpu.dma_semaphore, #tpu.memory_space<semaphore_mem>>) src(%arg11 : memref<80x128xf32, #tpu.memory_space<vmem>>) dst(%dma_wait3A_309 : memref<10000x128xf32, #tpu.memory_space<vmem_shared>>)
        %add3A_310 = arith.constant 3 : i32
        %add3A_311 = arith.addi %add3A_280, %add3A_310 : i32
        %get3A_312 = arith.index_cast %add3A_311 : i32 to index
        %get3A_313 = arith.constant 0 : index
        %get3A_314 = tpu.vector_load %arg5[%get3A_312, %get3A_313] {strides = array<i32>} : memref<125x80xi32, #tpu.memory_space<vmem>>, vector<1x16xi32>,
        %get3A_315 = vector.shape_cast %get3A_314 : vector<1x16xi32> to vector<16xi32>
        %and3A_316 = arith.constant 16383 : i32
        %and3A_317 = vector.broadcast %and3A_316 : i32 to vector<16xi32>
        %and3A_318 = arith.andi %get3A_315, %and3A_317 : vector<16xi32>
        %min3A_319 = arith.constant 9999 : i32
        %min3A_320 = vector.broadcast %min3A_319 : i32 to vector<16xi32>
        %min3A_321 = arith.minsi %and3A_318, %min3A_320 : vector<16xi32>
        %swap3A_322 = arith.constant 0 : index
        %swap3A_323 = tpu.vector_load %arg8[%swap3A_322] {strides = array<i32>} : memref<80xi32, #tpu.memory_space<vmem>>, vector<16xi32>,
        %swap3A_324 = vector.shape_cast %swap3A_323 : vector<16xi32> to vector<16xi32>
        %swap3A_325 = vector.shape_cast %min3A_321 : vector<16xi32> to vector<16xi32>
        tpu.vector_store %arg8[%swap3A_322], %swap3A_325 {strides = array<i32>} : memref<80xi32, #tpu.memory_space<vmem>>, vector<16xi32>,
        %shift_right_logical3A_326 = arith.constant 14 : i32
        %shift_right_logical3A_327 = vector.broadcast %shift_right_logical3A_326 : i32 to vector<16xi32>
        %shift_right_logical3A_328 = arith.shrui %get3A_315, %shift_right_logical3A_327 : vector<16xi32>
        %min3A_329 = arith.constant 9999 : i32
        %min3A_330 = vector.broadcast %min3A_329 : i32 to vector<16xi32>
        %min3A_331 = arith.minsi %shift_right_logical3A_328, %min3A_330 : vector<16xi32>
        %swap3A_332 = arith.constant 0 : index
        %swap3A_333 = tpu.vector_load %arg9[%swap3A_332] {strides = array<i32>} : memref<80xi32, #tpu.memory_space<vmem>>, vector<16xi32>,
        %swap3A_334 = vector.shape_cast %swap3A_333 : vector<16xi32> to vector<16xi32>
        %swap3A_335 = vector.shape_cast %min3A_331 : vector<16xi32> to vector<16xi32>
        tpu.vector_store %arg9[%swap3A_332], %swap3A_335 {strides = array<i32>} : memref<80xi32, #tpu.memory_space<vmem>>, vector<16xi32>,
        %get3A_336 = arith.index_cast %add3A_311 : i32 to index
        %get3A_337 = arith.constant 16 : index
        %get3A_338 = tpu.vector_load %arg5[%get3A_336, %get3A_337] {strides = array<i32>} : memref<125x80xi32, #tpu.memory_space<vmem>>, vector<1x16xi32>,
        %get3A_339 = vector.shape_cast %get3A_338 : vector<1x16xi32> to vector<16xi32>
        %and3A_340 = arith.constant 16383 : i32
        %and3A_341 = vector.broadcast %and3A_340 : i32 to vector<16xi32>
        %and3A_342 = arith.andi %get3A_339, %and3A_341 : vector<16xi32>
        %min3A_343 = arith.constant 9999 : i32
        %min3A_344 = vector.broadcast %min3A_343 : i32 to vector<16xi32>
        %min3A_345 = arith.minsi %and3A_342, %min3A_344 : vector<16xi32>
        %swap3A_346 = arith.constant 16 : index
        %swap3A_347 = tpu.vector_load %arg8[%swap3A_346] {strides = array<i32>} : memref<80xi32, #tpu.memory_space<vmem>>, vector<16xi32>,
        %swap3A_348 = vector.shape_cast %swap3A_347 : vector<16xi32> to vector<16xi32>
        %swap3A_349 = vector.shape_cast %min3A_345 : vector<16xi32> to vector<16xi32>
        tpu.vector_store %arg8[%swap3A_346], %swap3A_349 {strides = array<i32>} : memref<80xi32, #tpu.memory_space<vmem>>, vector<16xi32>,
        %shift_right_logical3A_350 = arith.constant 14 : i32
        %shift_right_logical3A_351 = vector.broadcast %shift_right_logical3A_350 : i32 to vector<16xi32>
        %shift_right_logical3A_352 = arith.shrui %get3A_339, %shift_right_logical3A_351 : vector<16xi32>
        %min3A_353 = arith.constant 9999 : i32
        %min3A_354 = vector.broadcast %min3A_353 : i32 to vector<16xi32>
        %min3A_355 = arith.minsi %shift_right_logical3A_352, %min3A_354 : vector<16xi32>
        %swap3A_356 = arith.constant 16 : index
        %swap3A_357 = tpu.vector_load %arg9[%swap3A_356] {strides = array<i32>} : memref<80xi32, #tpu.memory_space<vmem>>, vector<16xi32>,
        %swap3A_358 = vector.shape_cast %swap3A_357 : vector<16xi32> to vector<16xi32>
        %swap3A_359 = vector.shape_cast %min3A_355 : vector<16xi32> to vector<16xi32>
        tpu.vector_store %arg9[%swap3A_356], %swap3A_359 {strides = array<i32>} : memref<80xi32, #tpu.memory_space<vmem>>, vector<16xi32>,
        %get3A_360 = arith.index_cast %add3A_311 : i32 to index
        %get3A_361 = arith.constant 32 : index
        %get3A_362 = tpu.vector_load %arg5[%get3A_360, %get3A_361] {strides = array<i32>} : memref<125x80xi32, #tpu.memory_space<vmem>>, vector<1x16xi32>,
        %get3A_363 = vector.shape_cast %get3A_362 : vector<1x16xi32> to vector<16xi32>
        %and3A_364 = arith.constant 16383 : i32
        %and3A_365 = vector.broadcast %and3A_364 : i32 to vector<16xi32>
        %and3A_366 = arith.andi %get3A_363, %and3A_365 : vector<16xi32>
        %min3A_367 = arith.constant 9999 : i32
        %min3A_368 = vector.broadcast %min3A_367 : i32 to vector<16xi32>
        %min3A_369 = arith.minsi %and3A_366, %min3A_368 : vector<16xi32>
        %swap3A_370 = arith.constant 32 : index
        %swap3A_371 = tpu.vector_load %arg8[%swap3A_370] {strides = array<i32>} : memref<80xi32, #tpu.memory_space<vmem>>, vector<16xi32>,
        %swap3A_372 = vector.shape_cast %swap3A_371 : vector<16xi32> to vector<16xi32>
        %swap3A_373 = vector.shape_cast %min3A_369 : vector<16xi32> to vector<16xi32>
        tpu.vector_store %arg8[%swap3A_370], %swap3A_373 {strides = array<i32>} : memref<80xi32, #tpu.memory_space<vmem>>, vector<16xi32>,
        %shift_right_logical3A_374 = arith.constant 14 : i32
        %shift_right_logical3A_375 = vector.broadcast %shift_right_logical3A_374 : i32 to vector<16xi32>
        %shift_right_logical3A_376 = arith.shrui %get3A_363, %shift_right_logical3A_375 : vector<16xi32>
        %min3A_377 = arith.constant 9999 : i32
        %min3A_378 = vector.broadcast %min3A_377 : i32 to vector<16xi32>
        %min3A_379 = arith.minsi %shift_right_logical3A_376, %min3A_378 : vector<16xi32>
        %swap3A_380 = arith.constant 32 : index
        %swap3A_381 = tpu.vector_load %arg9[%swap3A_380] {strides = array<i32>} : memref<80xi32, #tpu.memory_space<vmem>>, vector<16xi32>,
        %swap3A_382 = vector.shape_cast %swap3A_381 : vector<16xi32> to vector<16xi32>
        %swap3A_383 = vector.shape_cast %min3A_379 : vector<16xi32> to vector<16xi32>
        tpu.vector_store %arg9[%swap3A_380], %swap3A_383 {strides = array<i32>} : memref<80xi32, #tpu.memory_space<vmem>>, vector<16xi32>,
        %get3A_384 = arith.index_cast %add3A_311 : i32 to index
        %get3A_385 = arith.constant 48 : index
        %get3A_386 = tpu.vector_load %arg5[%get3A_384, %get3A_385] {strides = array<i32>} : memref<125x80xi32, #tpu.memory_space<vmem>>, vector<1x16xi32>,
        %get3A_387 = vector.shape_cast %get3A_386 : vector<1x16xi32> to vector<16xi32>
        %and3A_388 = arith.constant 16383 : i32
        %and3A_389 = vector.broadcast %and3A_388 : i32 to vector<16xi32>
        %and3A_390 = arith.andi %get3A_387, %and3A_389 : vector<16xi32>
        %min3A_391 = arith.constant 9999 : i32
        %min3A_392 = vector.broadcast %min3A_391 : i32 to vector<16xi32>
        %min3A_393 = arith.minsi %and3A_390, %min3A_392 : vector<16xi32>
        %swap3A_394 = arith.constant 48 : index
        %swap3A_395 = tpu.vector_load %arg8[%swap3A_394] {strides = array<i32>} : memref<80xi32, #tpu.memory_space<vmem>>, vector<16xi32>,
        %swap3A_396 = vector.shape_cast %swap3A_395 : vector<16xi32> to vector<16xi32>
        %swap3A_397 = vector.shape_cast %min3A_393 : vector<16xi32> to vector<16xi32>
        tpu.vector_store %arg8[%swap3A_394], %swap3A_397 {strides = array<i32>} : memref<80xi32, #tpu.memory_space<vmem>>, vector<16xi32>,
        %shift_right_logical3A_398 = arith.constant 14 : i32
        %shift_right_logical3A_399 = vector.broadcast %shift_right_logical3A_398 : i32 to vector<16xi32>
        %shift_right_logical3A_400 = arith.shrui %get3A_387, %shift_right_logical3A_399 : vector<16xi32>
        %min3A_401 = arith.constant 9999 : i32
        %min3A_402 = vector.broadcast %min3A_401 : i32 to vector<16xi32>
        %min3A_403 = arith.minsi %shift_right_logical3A_400, %min3A_402 : vector<16xi32>
        %swap3A_404 = arith.constant 48 : index
        %swap3A_405 = tpu.vector_load %arg9[%swap3A_404] {strides = array<i32>} : memref<80xi32, #tpu.memory_space<vmem>>, vector<16xi32>,
        %swap3A_406 = vector.shape_cast %swap3A_405 : vector<16xi32> to vector<16xi32>
        %swap3A_407 = vector.shape_cast %min3A_403 : vector<16xi32> to vector<16xi32>
        tpu.vector_store %arg9[%swap3A_404], %swap3A_407 {strides = array<i32>} : memref<80xi32, #tpu.memory_space<vmem>>, vector<16xi32>,
        %get3A_408 = arith.index_cast %add3A_311 : i32 to index
        %get3A_409 = arith.constant 64 : index
        %get3A_410 = tpu.vector_load %arg5[%get3A_408, %get3A_409] {strides = array<i32>} : memref<125x80xi32, #tpu.memory_space<vmem>>, vector<1x16xi32>,
        %get3A_411 = vector.shape_cast %get3A_410 : vector<1x16xi32> to vector<16xi32>
        %and3A_412 = arith.constant 16383 : i32
        %and3A_413 = vector.broadcast %and3A_412 : i32 to vector<16xi32>
        %and3A_414 = arith.andi %get3A_411, %and3A_413 : vector<16xi32>
        %min3A_415 = arith.constant 9999 : i32
        %min3A_416 = vector.broadcast %min3A_415 : i32 to vector<16xi32>
        %min3A_417 = arith.minsi %and3A_414, %min3A_416 : vector<16xi32>
        %swap3A_418 = arith.constant 64 : index
        %swap3A_419 = tpu.vector_load %arg8[%swap3A_418] {strides = array<i32>} : memref<80xi32, #tpu.memory_space<vmem>>, vector<16xi32>,
        %swap3A_420 = vector.shape_cast %swap3A_419 : vector<16xi32> to vector<16xi32>
        %swap3A_421 = vector.shape_cast %min3A_417 : vector<16xi32> to vector<16xi32>
        tpu.vector_store %arg8[%swap3A_418], %swap3A_421 {strides = array<i32>} : memref<80xi32, #tpu.memory_space<vmem>>, vector<16xi32>,
        %shift_right_logical3A_422 = arith.constant 14 : i32
        %shift_right_logical3A_423 = vector.broadcast %shift_right_logical3A_422 : i32 to vector<16xi32>
        %shift_right_logical3A_424 = arith.shrui %get3A_411, %shift_right_logical3A_423 : vector<16xi32>
        %min3A_425 = arith.constant 9999 : i32
        %min3A_426 = vector.broadcast %min3A_425 : i32 to vector<16xi32>
        %min3A_427 = arith.minsi %shift_right_logical3A_424, %min3A_426 : vector<16xi32>
        %swap3A_428 = arith.constant 64 : index
        %swap3A_429 = tpu.vector_load %arg9[%swap3A_428] {strides = array<i32>} : memref<80xi32, #tpu.memory_space<vmem>>, vector<16xi32>,
        %swap3A_430 = vector.shape_cast %swap3A_429 : vector<16xi32> to vector<16xi32>
        %swap3A_431 = vector.shape_cast %min3A_427 : vector<16xi32> to vector<16xi32>
        tpu.vector_store %arg9[%swap3A_428], %swap3A_431 {strides = array<i32>} : memref<80xi32, #tpu.memory_space<vmem>>, vector<16xi32>,
        %dma_start3A_432 = arith.constant 0 : i32
        %dma_start3A_433 = arith.constant 0 : i32
        %dma_start3A_434 = tpu.memref_slice %arg2[%dma_start3A_432, %dma_start3A_433] : memref<10000x128xf32, #tpu.memory_space<hbm>> -> memref<10000x128xf32, #tpu.memory_space<hbm>>
        tpu.enqueue_indirect_dma source(%dma_start3A_434 : memref<10000x128xf32, #tpu.memory_space<hbm>>) target(%arg11 : memref<80x128xf32, #tpu.memory_space<vmem>>) offsets(%arg8 : memref<80xi32, #tpu.memory_space<vmem>>) semaphore(%arg14 : memref<!tpu.dma_semaphore, #tpu.memory_space<semaphore_mem>>)
      } else {
      }
    }
    %scan3A_260 = arith.constant 63 : i32
    %dma_wait3A = arith.constant 0 : i32
    %dma_wait3A_261 = arith.constant 0 : i32
    %dma_wait3A_262 = tpu.memref_slice %arg12[%dma_wait3A, %dma_wait3A_261] : memref<10000x128xf32, #tpu.memory_space<vmem_shared>> -> memref<10000x128xf32, #tpu.memory_space<vmem_shared>>
    tpu.wait_indirect_dma semaphore(%arg16 : memref<!tpu.dma_semaphore, #tpu.memory_space<semaphore_mem>>) src(%arg11 : memref<80x128xf32, #tpu.memory_space<vmem>>) dst(%dma_wait3A_262 : memref<10000x128xf32, #tpu.memory_space<vmem_shared>>)
    %dma_wait3A_263 = arith.constant 0 : i32
    %dma_wait3A_264 = arith.constant 0 : i32
    %dma_wait3A_265 = tpu.memref_slice %arg12[%dma_wait3A_263, %dma_wait3A_264] : memref<10000x128xf32, #tpu.memory_space<vmem_shared>> -> memref<10000x128xf32, #tpu.memory_space<vmem_shared>>
    tpu.wait_indirect_dma semaphore(%arg15 : memref<!tpu.dma_semaphore, #tpu.memory_space<semaphore_mem>>) src(%arg10 : memref<80x128xf32, #tpu.memory_space<vmem>>) dst(%dma_wait3A_265 : memref<10000x128xf32, #tpu.memory_space<vmem_shared>>)
    %barrier3A_266 = arith.constant 0 : index
    tpu.barrier barrier_id(%barrier3A_266)
    %mul3A_267 = arith.constant 624 : i32
    %mul3A_268 = arith.muli %arg1, %mul3A_267 : i32
    %mul3A_269 = arith.constant 624 : i32
    %mul3A_270 = arith.muli %arg1, %mul3A_269 : i32
    "tpu.region"() ({
      %run_scoped3A = tpu.sem_alloc : memref<!tpu.dma_semaphore, #tpu.memory_space<semaphore_mem>>
      %dma_start3A_276 = arith.constant 0 : i32
      %dma_start3A_277 = tpu.memref_slice %arg4[%arg0, %mul3A_270, %dma_start3A_276] : memref<2x10000x128xf32, #tpu.memory_space<hbm>> -> memref<1x624x128xf32, #tpu.memory_space<hbm>>
      %dma_start3A_278 = tpu.memref_squeeze %dma_start3A_277 : memref<1x624x128xf32, #tpu.memory_space<hbm>> -> memref<624x128xf32, #tpu.memory_space<hbm>>
      %dma_start3A_279 = arith.constant 0 : i32
      %dma_start3A_280 = tpu.memref_slice %arg12[%mul3A_268, %dma_start3A_279] : memref<10000x128xf32, #tpu.memory_space<vmem_shared>> -> memref<624x128xf32, #tpu.memory_space<vmem_shared>>
      tpu.enqueue_dma source(%dma_start3A_280 : memref<624x128xf32, #tpu.memory_space<vmem_shared>>) target(%dma_start3A_278 : memref<624x128xf32, #tpu.memory_space<hbm>>) target_semaphore(%run_scoped3A : memref<!tpu.dma_semaphore, #tpu.memory_space<semaphore_mem>>)
      %dma_wait3A_281 = arith.constant 0 : i32
      %dma_wait3A_282 = tpu.memref_slice %arg4[%arg0, %mul3A_270, %dma_wait3A_281] : memref<2x10000x128xf32, #tpu.memory_space<hbm>> -> memref<1x624x128xf32, #tpu.memory_space<hbm>>
      %dma_wait3A_283 = tpu.memref_squeeze %dma_wait3A_282 : memref<1x624x128xf32, #tpu.memory_space<hbm>> -> memref<624x128xf32, #tpu.memory_space<hbm>>
      %dma_wait3A_284 = arith.constant 0 : i32
      %dma_wait3A_285 = tpu.memref_slice %arg12[%mul3A_268, %dma_wait3A_284] : memref<10000x128xf32, #tpu.memory_space<vmem_shared>> -> memref<624x128xf32, #tpu.memory_space<vmem_shared>>
      tpu.wait_dma2 semaphore(%run_scoped3A : memref<!tpu.dma_semaphore, #tpu.memory_space<semaphore_mem>>) src(%dma_wait3A_285 : memref<624x128xf32, #tpu.memory_space<vmem_shared>>) dst(%dma_wait3A_283 : memref<624x128xf32, #tpu.memory_space<hbm>>)
      tpu.yield
    }) : () -> ()
    %eq3A_271 = arith.constant 0 : i32
    %eq3A_272 = arith.cmpi eq, %arg1, %eq3A_271 : i32
    %convert_element_type3A_273 = arith.extui %eq3A_272 : i1 to i32
    %cond3A_274 = arith.constant 0 : i32
    %cond3A_275 = arith.cmpi ne, %convert_element_type3A_273, %cond3A_274 : i32
    scf.if %cond3A_275 {
      "tpu.region"() ({
        %run_scoped3A = tpu.sem_alloc : memref<!tpu.dma_semaphore, #tpu.memory_space<semaphore_mem>>
        %dma_start3A_276 = arith.constant 9984 : i32
        %dma_start3A_277 = arith.constant 0 : i32
        %dma_start3A_278 = tpu.memref_slice %arg4[%arg0, %dma_start3A_276, %dma_start3A_277] : memref<2x10000x128xf32, #tpu.memory_space<hbm>> -> memref<1x16x128xf32, #tpu.memory_space<hbm>>
        %dma_start3A_279 = tpu.memref_squeeze %dma_start3A_278 : memref<1x16x128xf32, #tpu.memory_space<hbm>> -> memref<16x128xf32, #tpu.memory_space<hbm>>
        %dma_start3A_280 = arith.constant 9984 : i32
        %dma_start3A_281 = arith.constant 0 : i32
        %dma_start3A_282 = tpu.memref_slice %arg12[%dma_start3A_280, %dma_start3A_281] : memref<10000x128xf32, #tpu.memory_space<vmem_shared>> -> memref<16x128xf32, #tpu.memory_space<vmem_shared>>
        tpu.enqueue_dma source(%dma_start3A_282 : memref<16x128xf32, #tpu.memory_space<vmem_shared>>) target(%dma_start3A_279 : memref<16x128xf32, #tpu.memory_space<hbm>>) target_semaphore(%run_scoped3A : memref<!tpu.dma_semaphore, #tpu.memory_space<semaphore_mem>>)
        %dma_wait3A_283 = arith.constant 9984 : i32
        %dma_wait3A_284 = arith.constant 0 : i32
        %dma_wait3A_285 = tpu.memref_slice %arg4[%arg0, %dma_wait3A_283, %dma_wait3A_284] : memref<2x10000x128xf32, #tpu.memory_space<hbm>> -> memref<1x16x128xf32, #tpu.memory_space<hbm>>
        %dma_wait3A_286 = tpu.memref_squeeze %dma_wait3A_285 : memref<1x16x128xf32, #tpu.memory_space<hbm>> -> memref<16x128xf32, #tpu.memory_space<hbm>>
        %dma_wait3A_287 = arith.constant 9984 : i32
        %dma_wait3A_288 = arith.constant 0 : i32
        %dma_wait3A_289 = tpu.memref_slice %arg12[%dma_wait3A_287, %dma_wait3A_288] : memref<10000x128xf32, #tpu.memory_space<vmem_shared>> -> memref<16x128xf32, #tpu.memory_space<vmem_shared>>
        tpu.wait_dma2 semaphore(%run_scoped3A : memref<!tpu.dma_semaphore, #tpu.memory_space<semaphore_mem>>) src(%dma_wait3A_289 : memref<16x128xf32, #tpu.memory_space<vmem_shared>>) dst(%dma_wait3A_286 : memref<16x128xf32, #tpu.memory_space<hbm>>)
        tpu.yield
      }) : () -> ()
    } else {
    }
    return
  }
}

module attributes {stable_mosaic.version = 14 : i64} {
  func.func @_mlp_body(%arg0: i32, %arg1: memref<2000x128xf32, #tpu.memory_space<vmem>>, %arg2: memref<1x2000x128xf32, #tpu.memory_space<vmem>>, %arg3: memref<1x2000x128xf32, #tpu.memory_space<vmem>>, %arg4: memref<1xf32, #tpu.memory_space<smem>>, %arg5: memref<128x128xf32, #tpu.memory_space<vmem>>, %arg6: memref<1x128xf32, #tpu.memory_space<vmem>>, %arg7: memref<1x128xf32, #tpu.memory_space<vmem>>, %arg8: memref<1x128xf32, #tpu.memory_space<vmem>>, %arg9: memref<128x128xf32, #tpu.memory_space<vmem>>, %arg10: memref<1x128xf32, #tpu.memory_space<vmem>>, %arg11: memref<1x128xf32, #tpu.memory_space<vmem>>, %arg12: memref<1x128xf32, #tpu.memory_space<vmem>>, %arg13: memref<128x128xf32, #tpu.memory_space<vmem>>, %arg14: memref<1x128xf32, #tpu.memory_space<vmem>>, %arg15: memref<1x128xf32, #tpu.memory_space<vmem>>, %arg16: memref<1x128xf32, #tpu.memory_space<vmem>>, %arg17: memref<2000x128xf32, #tpu.memory_space<vmem>>) attributes {dimension_semantics = [#tpu.dimension_semantics<arbitrary>], iteration_bounds = array<i64: 5>, scalar_prefetch = 0 : i64, scratch_operands = 0 : i64, tpu.core_type = #tpu.core_type<tc>, window_params = [{transform_indices = @transform_0, window_bounds = array<i64: 2000, 128>}, {transform_indices = @transform_1, window_bounds = array<i64: 1, 2000, 128>}, {transform_indices = @transform_2, window_bounds = array<i64: 1, 2000, 128>}, {transform_indices = @transform_3, window_bounds = array<i64: 1>}, {pipeline_mode = #tpu.pipeline_mode<synchronous>, transform_indices = @transform_4, window_bounds = array<i64: 128, 128>}, {pipeline_mode = #tpu.pipeline_mode<synchronous>, transform_indices = @transform_5, window_bounds = array<i64: 1, 128>}, {pipeline_mode = #tpu.pipeline_mode<synchronous>, transform_indices = @transform_6, window_bounds = array<i64: 1, 128>}, {pipeline_mode = #tpu.pipeline_mode<synchronous>, transform_indices = @transform_7, window_bounds = array<i64: 1, 128>}, {pipeline_mode = #tpu.pipeline_mode<synchronous>, transform_indices = @transform_8, window_bounds = array<i64: 128, 128>}, {pipeline_mode = #tpu.pipeline_mode<synchronous>, transform_indices = @transform_9, window_bounds = array<i64: 1, 128>}, {pipeline_mode = #tpu.pipeline_mode<synchronous>, transform_indices = @transform_10, window_bounds = array<i64: 1, 128>}, {pipeline_mode = #tpu.pipeline_mode<synchronous>, transform_indices = @transform_11, window_bounds = array<i64: 1, 128>}, {pipeline_mode = #tpu.pipeline_mode<synchronous>, transform_indices = @transform_12, window_bounds = array<i64: 128, 128>}, {pipeline_mode = #tpu.pipeline_mode<synchronous>, transform_indices = @transform_13, window_bounds = array<i64: 1, 128>}, {pipeline_mode = #tpu.pipeline_mode<synchronous>, transform_indices = @transform_14, window_bounds = array<i64: 1, 128>}, {pipeline_mode = #tpu.pipeline_mode<synchronous>, transform_indices = @transform_15, window_bounds = array<i64: 1, 128>}, {transform_indices = @transform_16, window_bounds = array<i64: 2000, 128>}]} {
    %get3A = arith.constant 0 : index
    %get3A_0 = memref.load %arg4[%get3A] : memref<1xf32, #tpu.memory_space<smem>>
    %get3A_1 = arith.constant 0 : index
    %get3A_2 = arith.constant 0 : index
    %get3A_3 = arith.constant 0 : index
    %get3A_4 = vector.load %arg2[%get3A_1, %get3A_2, %get3A_3] : memref<1x2000x128xf32, #tpu.memory_space<vmem>>, vector<1x2000x128xf32>
    %get3A_5 = vector.shape_cast %get3A_4 : vector<1x2000x128xf32> to vector<2000x128xf32>
    %get3A_6 = arith.constant 0 : index
    %get3A_7 = arith.constant 0 : index
    %get3A_8 = arith.constant 0 : index
    %get3A_9 = vector.load %arg3[%get3A_6, %get3A_7, %get3A_8] : memref<1x2000x128xf32, #tpu.memory_space<vmem>>, vector<1x2000x128xf32>
    %get3A_10 = vector.shape_cast %get3A_9 : vector<1x2000x128xf32> to vector<2000x128xf32>
    %add3A = arith.addf %get3A_5, %get3A_10 : vector<2000x128xf32>
    %sub3A = arith.constant 1.000000e+00 : f32
    %sub3A_11 = arith.subf %get3A_0, %sub3A : f32
    %get3A_12 = arith.constant 0 : index
    %get3A_13 = arith.constant 0 : index
    %get3A_14 = vector.load %arg1[%get3A_12, %get3A_13] : memref<2000x128xf32, #tpu.memory_space<vmem>>, vector<2000x128xf32>
    %mul3A = vector.broadcast %sub3A_11 : f32 to vector<2000x128xf32>
    %mul3A_15 = arith.mulf %mul3A, %get3A_14 : vector<2000x128xf32>
    %add3A_16 = arith.addf %add3A, %mul3A_15 : vector<2000x128xf32>
    %get3A_17 = arith.constant 0 : index
    %get3A_18 = arith.constant 0 : index
    %get3A_19 = vector.load %arg5[%get3A_17, %get3A_18] : memref<128x128xf32, #tpu.memory_space<vmem>>, vector<128x128xf32>
    %dot_general3A = arith.constant dense<0.000000e+00> : vector<2000x128xf32>
    %dot_general3A_20 = tpu.matmul %add3A_16, %get3A_19, %dot_general3A {dimension_numbers = #tpu.dot_dimension_numbers<[1], [0], [0], [1], [0, 0, 1, 1], [], []>, transpose_lhs_hint = false} : vector<2000x128xf32>, vector<128x128xf32>, vector<2000x128xf32> -> vector<2000x128xf32>
    %get3A_21 = arith.constant 0 : index
    %get3A_22 = arith.constant 0 : index
    %get3A_23 = vector.load %arg6[%get3A_21, %get3A_22] : memref<1x128xf32, #tpu.memory_space<vmem>>, vector<1x128xf32>
    %add3A_24 = vector.broadcast %get3A_23 : vector<1x128xf32> to vector<2000x128xf32>
    %add3A_25 = arith.addf %dot_general3A_20, %add3A_24 : vector<2000x128xf32>
    %get3A_26 = arith.constant 0 : index
    %get3A_27 = arith.constant 0 : index
    %get3A_28 = vector.load %arg7[%get3A_26, %get3A_27] : memref<1x128xf32, #tpu.memory_space<vmem>>, vector<1x128xf32>
    %get3A_29 = arith.constant 0 : index
    %get3A_30 = arith.constant 0 : index
    %get3A_31 = vector.load %arg8[%get3A_29, %get3A_30] : memref<1x128xf32, #tpu.memory_space<vmem>>, vector<1x128xf32>
    %reduce_sum3A = arith.constant dense<0.000000e+00> : vector<2000xf32>
    %reduce_sum3A_32 = vector.multi_reduction <add>, %add3A_25, %reduce_sum3A [1] : vector<2000x128xf32> to vector<2000xf32>
    %broadcast_in_dim3A = vector.shape_cast %reduce_sum3A_32 : vector<2000xf32> to vector<2000x1xf32>
    %div3A = arith.constant 1.280000e+02 : f32
    %div3A_33 = vector.broadcast %div3A : f32 to vector<2000x1xf32>
    %div3A_34 = arith.divf %broadcast_in_dim3A, %div3A_33 : vector<2000x1xf32>
    %sub3A_35 = vector.broadcast %div3A_34 : vector<2000x1xf32> to vector<2000x128xf32>
    %sub3A_36 = arith.subf %add3A_25, %sub3A_35 : vector<2000x128xf32>
    %integer_pow3A = arith.mulf %sub3A_36, %sub3A_36 : vector<2000x128xf32>
    %reduce_sum3A_37 = arith.constant dense<0.000000e+00> : vector<2000xf32>
    %reduce_sum3A_38 = vector.multi_reduction <add>, %integer_pow3A, %reduce_sum3A_37 [1] : vector<2000x128xf32> to vector<2000xf32>
    %broadcast_in_dim3A_39 = vector.shape_cast %reduce_sum3A_38 : vector<2000xf32> to vector<2000x1xf32>
    %div3A_40 = arith.constant 1.280000e+02 : f32
    %div3A_41 = vector.broadcast %div3A_40 : f32 to vector<2000x1xf32>
    %div3A_42 = arith.divf %broadcast_in_dim3A_39, %div3A_41 : vector<2000x1xf32>
    %sub3A_43 = vector.broadcast %div3A_34 : vector<2000x1xf32> to vector<2000x128xf32>
    %sub3A_44 = arith.subf %add3A_25, %sub3A_43 : vector<2000x128xf32>
    %add3A_45 = arith.constant 9.99999974E-6 : f32
    %add3A_46 = vector.broadcast %add3A_45 : f32 to vector<2000x1xf32>
    %add3A_47 = arith.addf %div3A_42, %add3A_46 : vector<2000x1xf32>
    %rsqrt3A = math.rsqrt %add3A_47 : vector<2000x1xf32>
    %mul3A_48 = vector.broadcast %rsqrt3A : vector<2000x1xf32> to vector<2000x128xf32>
    %mul3A_49 = arith.mulf %sub3A_44, %mul3A_48 : vector<2000x128xf32>
    %mul3A_50 = vector.broadcast %get3A_28 : vector<1x128xf32> to vector<2000x128xf32>
    %mul3A_51 = arith.mulf %mul3A_49, %mul3A_50 : vector<2000x128xf32>
    %add3A_52 = vector.broadcast %get3A_31 : vector<1x128xf32> to vector<2000x128xf32>
    %add3A_53 = arith.addf %mul3A_51, %add3A_52 : vector<2000x128xf32>
    %max3A = arith.constant 0.000000e+00 : f32
    %max3A_54 = vector.broadcast %max3A : f32 to vector<2000x128xf32>
    %max3A_55 = arith.maximumf %add3A_53, %max3A_54 : vector<2000x128xf32>
    %get3A_56 = arith.constant 0 : index
    %get3A_57 = arith.constant 0 : index
    %get3A_58 = vector.load %arg9[%get3A_56, %get3A_57] : memref<128x128xf32, #tpu.memory_space<vmem>>, vector<128x128xf32>
    %dot_general3A_59 = arith.constant dense<0.000000e+00> : vector<2000x128xf32>
    %dot_general3A_60 = tpu.matmul %max3A_55, %get3A_58, %dot_general3A_59 {dimension_numbers = #tpu.dot_dimension_numbers<[1], [0], [0], [1], [0, 0, 1, 1], [], []>, transpose_lhs_hint = false} : vector<2000x128xf32>, vector<128x128xf32>, vector<2000x128xf32> -> vector<2000x128xf32>
    %get3A_61 = arith.constant 0 : index
    %get3A_62 = arith.constant 0 : index
    %get3A_63 = vector.load %arg10[%get3A_61, %get3A_62] : memref<1x128xf32, #tpu.memory_space<vmem>>, vector<1x128xf32>
    %add3A_64 = vector.broadcast %get3A_63 : vector<1x128xf32> to vector<2000x128xf32>
    %add3A_65 = arith.addf %dot_general3A_60, %add3A_64 : vector<2000x128xf32>
    %get3A_66 = arith.constant 0 : index
    %get3A_67 = arith.constant 0 : index
    %get3A_68 = vector.load %arg11[%get3A_66, %get3A_67] : memref<1x128xf32, #tpu.memory_space<vmem>>, vector<1x128xf32>
    %get3A_69 = arith.constant 0 : index
    %get3A_70 = arith.constant 0 : index
    %get3A_71 = vector.load %arg12[%get3A_69, %get3A_70] : memref<1x128xf32, #tpu.memory_space<vmem>>, vector<1x128xf32>
    %reduce_sum3A_72 = arith.constant dense<0.000000e+00> : vector<2000xf32>
    %reduce_sum3A_73 = vector.multi_reduction <add>, %add3A_65, %reduce_sum3A_72 [1] : vector<2000x128xf32> to vector<2000xf32>
    %broadcast_in_dim3A_74 = vector.shape_cast %reduce_sum3A_73 : vector<2000xf32> to vector<2000x1xf32>
    %div3A_75 = arith.constant 1.280000e+02 : f32
    %div3A_76 = vector.broadcast %div3A_75 : f32 to vector<2000x1xf32>
    %div3A_77 = arith.divf %broadcast_in_dim3A_74, %div3A_76 : vector<2000x1xf32>
    %sub3A_78 = vector.broadcast %div3A_77 : vector<2000x1xf32> to vector<2000x128xf32>
    %sub3A_79 = arith.subf %add3A_65, %sub3A_78 : vector<2000x128xf32>
    %integer_pow3A_80 = arith.mulf %sub3A_79, %sub3A_79 : vector<2000x128xf32>
    %reduce_sum3A_81 = arith.constant dense<0.000000e+00> : vector<2000xf32>
    %reduce_sum3A_82 = vector.multi_reduction <add>, %integer_pow3A_80, %reduce_sum3A_81 [1] : vector<2000x128xf32> to vector<2000xf32>
    %broadcast_in_dim3A_83 = vector.shape_cast %reduce_sum3A_82 : vector<2000xf32> to vector<2000x1xf32>
    %div3A_84 = arith.constant 1.280000e+02 : f32
    %div3A_85 = vector.broadcast %div3A_84 : f32 to vector<2000x1xf32>
    %div3A_86 = arith.divf %broadcast_in_dim3A_83, %div3A_85 : vector<2000x1xf32>
    %sub3A_87 = vector.broadcast %div3A_77 : vector<2000x1xf32> to vector<2000x128xf32>
    %sub3A_88 = arith.subf %add3A_65, %sub3A_87 : vector<2000x128xf32>
    %add3A_89 = arith.constant 9.99999974E-6 : f32
    %add3A_90 = vector.broadcast %add3A_89 : f32 to vector<2000x1xf32>
    %add3A_91 = arith.addf %div3A_86, %add3A_90 : vector<2000x1xf32>
    %rsqrt3A_92 = math.rsqrt %add3A_91 : vector<2000x1xf32>
    %mul3A_93 = vector.broadcast %rsqrt3A_92 : vector<2000x1xf32> to vector<2000x128xf32>
    %mul3A_94 = arith.mulf %sub3A_88, %mul3A_93 : vector<2000x128xf32>
    %mul3A_95 = vector.broadcast %get3A_68 : vector<1x128xf32> to vector<2000x128xf32>
    %mul3A_96 = arith.mulf %mul3A_94, %mul3A_95 : vector<2000x128xf32>
    %add3A_97 = vector.broadcast %get3A_71 : vector<1x128xf32> to vector<2000x128xf32>
    %add3A_98 = arith.addf %mul3A_96, %add3A_97 : vector<2000x128xf32>
    %max3A_99 = arith.constant 0.000000e+00 : f32
    %max3A_100 = vector.broadcast %max3A_99 : f32 to vector<2000x128xf32>
    %max3A_101 = arith.maximumf %add3A_98, %max3A_100 : vector<2000x128xf32>
    %get3A_102 = arith.constant 0 : index
    %get3A_103 = arith.constant 0 : index
    %get3A_104 = vector.load %arg13[%get3A_102, %get3A_103] : memref<128x128xf32, #tpu.memory_space<vmem>>, vector<128x128xf32>
    %dot_general3A_105 = arith.constant dense<0.000000e+00> : vector<2000x128xf32>
    %dot_general3A_106 = tpu.matmul %max3A_101, %get3A_104, %dot_general3A_105 {dimension_numbers = #tpu.dot_dimension_numbers<[1], [0], [0], [1], [0, 0, 1, 1], [], []>, transpose_lhs_hint = false} : vector<2000x128xf32>, vector<128x128xf32>, vector<2000x128xf32> -> vector<2000x128xf32>
    %get3A_107 = arith.constant 0 : index
    %get3A_108 = arith.constant 0 : index
    %get3A_109 = vector.load %arg14[%get3A_107, %get3A_108] : memref<1x128xf32, #tpu.memory_space<vmem>>, vector<1x128xf32>
    %add3A_110 = vector.broadcast %get3A_109 : vector<1x128xf32> to vector<2000x128xf32>
    %add3A_111 = arith.addf %dot_general3A_106, %add3A_110 : vector<2000x128xf32>
    %get3A_112 = arith.constant 0 : index
    %get3A_113 = arith.constant 0 : index
    %get3A_114 = vector.load %arg15[%get3A_112, %get3A_113] : memref<1x128xf32, #tpu.memory_space<vmem>>, vector<1x128xf32>
    %get3A_115 = arith.constant 0 : index
    %get3A_116 = arith.constant 0 : index
    %get3A_117 = vector.load %arg16[%get3A_115, %get3A_116] : memref<1x128xf32, #tpu.memory_space<vmem>>, vector<1x128xf32>
    %reduce_sum3A_118 = arith.constant dense<0.000000e+00> : vector<2000xf32>
    %reduce_sum3A_119 = vector.multi_reduction <add>, %add3A_111, %reduce_sum3A_118 [1] : vector<2000x128xf32> to vector<2000xf32>
    %broadcast_in_dim3A_120 = vector.shape_cast %reduce_sum3A_119 : vector<2000xf32> to vector<2000x1xf32>
    %div3A_121 = arith.constant 1.280000e+02 : f32
    %div3A_122 = vector.broadcast %div3A_121 : f32 to vector<2000x1xf32>
    %div3A_123 = arith.divf %broadcast_in_dim3A_120, %div3A_122 : vector<2000x1xf32>
    %sub3A_124 = vector.broadcast %div3A_123 : vector<2000x1xf32> to vector<2000x128xf32>
    %sub3A_125 = arith.subf %add3A_111, %sub3A_124 : vector<2000x128xf32>
    %integer_pow3A_126 = arith.mulf %sub3A_125, %sub3A_125 : vector<2000x128xf32>
    %reduce_sum3A_127 = arith.constant dense<0.000000e+00> : vector<2000xf32>
    %reduce_sum3A_128 = vector.multi_reduction <add>, %integer_pow3A_126, %reduce_sum3A_127 [1] : vector<2000x128xf32> to vector<2000xf32>
    %broadcast_in_dim3A_129 = vector.shape_cast %reduce_sum3A_128 : vector<2000xf32> to vector<2000x1xf32>
    %div3A_130 = arith.constant 1.280000e+02 : f32
    %div3A_131 = vector.broadcast %div3A_130 : f32 to vector<2000x1xf32>
    %div3A_132 = arith.divf %broadcast_in_dim3A_129, %div3A_131 : vector<2000x1xf32>
    %sub3A_133 = vector.broadcast %div3A_123 : vector<2000x1xf32> to vector<2000x128xf32>
    %sub3A_134 = arith.subf %add3A_111, %sub3A_133 : vector<2000x128xf32>
    %add3A_135 = arith.constant 9.99999974E-6 : f32
    %add3A_136 = vector.broadcast %add3A_135 : f32 to vector<2000x1xf32>
    %add3A_137 = arith.addf %div3A_132, %add3A_136 : vector<2000x1xf32>
    %rsqrt3A_138 = math.rsqrt %add3A_137 : vector<2000x1xf32>
    %mul3A_139 = vector.broadcast %rsqrt3A_138 : vector<2000x1xf32> to vector<2000x128xf32>
    %mul3A_140 = arith.mulf %sub3A_134, %mul3A_139 : vector<2000x128xf32>
    %mul3A_141 = vector.broadcast %get3A_114 : vector<1x128xf32> to vector<2000x128xf32>
    %mul3A_142 = arith.mulf %mul3A_140, %mul3A_141 : vector<2000x128xf32>
    %add3A_143 = vector.broadcast %get3A_117 : vector<1x128xf32> to vector<2000x128xf32>
    %add3A_144 = arith.addf %mul3A_142, %add3A_143 : vector<2000x128xf32>
    %max3A_145 = arith.constant 0.000000e+00 : f32
    %max3A_146 = vector.broadcast %max3A_145 : f32 to vector<2000x128xf32>
    %max3A_147 = arith.maximumf %add3A_144, %max3A_146 : vector<2000x128xf32>
    %swap3A = arith.constant 0 : index
    %swap3A_148 = arith.constant 0 : index
    %swap3A_149 = vector.load %arg17[%swap3A, %swap3A_148] : memref<2000x128xf32, #tpu.memory_space<vmem>>, vector<2000x128xf32>
    tpu.vector_store %arg17[%swap3A, %swap3A_148], %max3A_147 {strides = array<i32>} : memref<2000x128xf32, #tpu.memory_space<vmem>>, vector<2000x128xf32>,
    return
  }
  func.func @transform_0(%arg0: i32) -> (i32, i32) {
    %c0_i32 = arith.constant 0 : i32
    %c0_i32_0 = arith.constant 0 : i32
    return %arg0, %c0_i32 : i32, i32
  }
  func.func @transform_1(%arg0: i32) -> (i32, i32, i32) {
    %c0_i32 = arith.constant 0 : i32
    %c0_i32_0 = arith.constant 0 : i32
    %c0_i32_1 = arith.constant 0 : i32
    return %c0_i32, %arg0, %c0_i32_0 : i32, i32, i32
  }
  func.func @transform_2(%arg0: i32) -> (i32, i32, i32) {
    %c1_i32 = arith.constant 1 : i32
    %c0_i32 = arith.constant 0 : i32
    %c0_i32_0 = arith.constant 0 : i32
    return %c1_i32, %arg0, %c0_i32 : i32, i32, i32
  }
  func.func @transform_3(%arg0: i32) -> i32 {
    %c0_i32 = arith.constant 0 : i32
    %c0_i32_0 = arith.constant 0 : i32
    return %c0_i32 : i32
  }
  func.func @transform_4(%arg0: i32) -> (i32, i32) {
    %c0_i32 = arith.constant 0 : i32
    %c0_i32_0 = arith.constant 0 : i32
    %c0_i32_1 = arith.constant 0 : i32
    return %c0_i32, %c0_i32_0 : i32, i32
  }
  func.func @transform_5(%arg0: i32) -> (i32, i32) {
    %c0_i32 = arith.constant 0 : i32
    %c0_i32_0 = arith.constant 0 : i32
    %c0_i32_1 = arith.constant 0 : i32
    return %c0_i32, %c0_i32_0 : i32, i32
  }
  func.func @transform_6(%arg0: i32) -> (i32, i32) {
    %c0_i32 = arith.constant 0 : i32
    %c0_i32_0 = arith.constant 0 : i32
    %c0_i32_1 = arith.constant 0 : i32
    return %c0_i32, %c0_i32_0 : i32, i32
  }
  func.func @transform_7(%arg0: i32) -> (i32, i32) {
    %c0_i32 = arith.constant 0 : i32
    %c0_i32_0 = arith.constant 0 : i32
    %c0_i32_1 = arith.constant 0 : i32
    return %c0_i32, %c0_i32_0 : i32, i32
  }
  func.func @transform_8(%arg0: i32) -> (i32, i32) {
    %c0_i32 = arith.constant 0 : i32
    %c0_i32_0 = arith.constant 0 : i32
    %c0_i32_1 = arith.constant 0 : i32
    return %c0_i32, %c0_i32_0 : i32, i32
  }
  func.func @transform_9(%arg0: i32) -> (i32, i32) {
    %c0_i32 = arith.constant 0 : i32
    %c0_i32_0 = arith.constant 0 : i32
    %c0_i32_1 = arith.constant 0 : i32
    return %c0_i32, %c0_i32_0 : i32, i32
  }
  func.func @transform_10(%arg0: i32) -> (i32, i32) {
    %c0_i32 = arith.constant 0 : i32
    %c0_i32_0 = arith.constant 0 : i32
    %c0_i32_1 = arith.constant 0 : i32
    return %c0_i32, %c0_i32_0 : i32, i32
  }
  func.func @transform_11(%arg0: i32) -> (i32, i32) {
    %c0_i32 = arith.constant 0 : i32
    %c0_i32_0 = arith.constant 0 : i32
    %c0_i32_1 = arith.constant 0 : i32
    return %c0_i32, %c0_i32_0 : i32, i32
  }
  func.func @transform_12(%arg0: i32) -> (i32, i32) {
    %c0_i32 = arith.constant 0 : i32
    %c0_i32_0 = arith.constant 0 : i32
    %c0_i32_1 = arith.constant 0 : i32
    return %c0_i32, %c0_i32_0 : i32, i32
  }
  func.func @transform_13(%arg0: i32) -> (i32, i32) {
    %c0_i32 = arith.constant 0 : i32
    %c0_i32_0 = arith.constant 0 : i32
    %c0_i32_1 = arith.constant 0 : i32
    return %c0_i32, %c0_i32_0 : i32, i32
  }
  func.func @transform_14(%arg0: i32) -> (i32, i32) {
    %c0_i32 = arith.constant 0 : i32
    %c0_i32_0 = arith.constant 0 : i32
    %c0_i32_1 = arith.constant 0 : i32
    return %c0_i32, %c0_i32_0 : i32, i32
  }
  func.func @transform_15(%arg0: i32) -> (i32, i32) {
    %c0_i32 = arith.constant 0 : i32
    %c0_i32_0 = arith.constant 0 : i32
    %c0_i32_1 = arith.constant 0 : i32
    return %c0_i32, %c0_i32_0 : i32, i32
  }
  func.func @transform_16(%arg0: i32) -> (i32, i32) {
    %c0_i32 = arith.constant 0 : i32
    %c0_i32_0 = arith.constant 0 : i32
    return %arg0, %c0_i32 : i32, i32
  }
}

</mosaic_0001>

<sc_bundles>
// kernel: kernel.4.cloned.1.call-start
scs
__scs_entry_jumppad:
0x0: {  	(pc) =	sbr.rel $0x88, $3  }
0x1: {  	(tag) =	ssettag $0x0;
	lr =	simm.s32 $0x1  }
0x2: {  	[smem:$0x3F92] =	sst lr;
	_ =	strace $0xD0000000  }
0x3: {  	_ = 	snop  }
0x4: {  	_ = 	snop  }
0x5: {  	_ = 	snop  }
0x6: {  	_ = 	snop  }
0x7: {  	_ = 	snop  }
__scs_overlays_trampoline_lowered:
0x8: {  	[smem:$0x3FA1] =	sst s0  }
0x9: {  	[smem:$0x3FA2] =	sst s1  }
0xa: {  	[smem:$0x3FA3] =	sst s2  }
0xb: {  	[smem:$0x3FA4] =	sst s3  }
0xc: {  	[smem:$0x3FA5] =	sst s4  }
0xd: {  	[smem:$0x3FA6] =	sst s5  }
0xe: {  	[smem:$0x3FA7] =	sst s6  }
0xf: {  	[smem:$0x3FA8] =	sst s7  }
0x10: {  	[smem:$0x3FA9] =	sst s8  }
0x11: {  	[smem:$0x3FAA] =	sst s9;
	s0 =	simm.s32 @!p0 $0x0  }
0x12: {  	s1 =	sld [smem:$0x3F90];
	s0 =	simm.s32 @p0 $0x1  }
0x13: {  	[smem:$0x3FAB] =	sst s0;
	s0 =	simm.s32 @!p1 $0x0  }
0x14: {  	s2 =	sld [smem:$0x3F8F];
	s0 =	simm.s32 @p1 $0x1  }
0x15: {  	[smem:$0x3FAC] =	sst s0;
	s0 =	simm.s32 @!p2 $0x0  }
0x16: {  	s3 =	sld [smem:$0x3FDB];
	s0 =	simm.s32 @p2 $0x1  }
0x17: {  	s4 =	simm.s32 $0x1BF5;
	[smem:$0x3FAE] =	sst s0  }
0x18: {  	s0 =	sld [smem:$0x3F91];
	_ =	swait.ge [sflag:s4], $0x0  }
0x19: {  	s7 =	sld [smem:$0x3F92]  }
0x1a: {  	s8 =	sadd.s32 $0xFFFFE003, lr  }
0x1b: {  	s9 =	sadd.s32 $0xFFFFFEF7, lr;
	s5 =	simm.s32 $0xFFFFFFFF;
	p2 =	slt.u32 s8, $0xFFFFF086  }
0x1c: {  	p1 =	slt.u32 s9, $0xF7A;
	s5 =	simm.s32 @!p2 $0x0  }
0x1d: {  	s5 =	simm.s32 @p1 $0x1;
	p0 =	seq.s32 s7, s2  }
0x1e: {  	s7 =	smul.u32 @!p0 $0xF7A, s2;
	p2 =	seq.s32 @!p0 s5, $0x0  }
0x1f: {  	s9 =	smul.u32 $0xF7A, s1;
	s8 =	simm.s32 @!p0 $0x1BF5;
	p2 =	por !p2, p0  }
0x20: {  	[sflag:s8] =	ssyncset.s32 @!p0 $0xFFFFF086;
	s6 =	sadd.s32 @!p0 s3, s7;
	s7 =	simm.s32 @!p0 $0x108  }
0x21: {  	s3 =	sadd.s32 s3, s9;
	s6 =	sadd.s32 @!p0 $0x88, s6;
	s7 =	simm.s32 @p2 $0x1082  }
0x22: {  	[simem:s7], [sflag:s8] =	dma.local @!p0 [hbm:s6], $0xF7A  }
0x23: {  	s9 =	sor.u32 $0xD0000000, s2;
	s6 =	simm.s32 $0x108;
	_ =	swait.ge @!p0 [sflag:s8], $0x0  }
0x24: {  	s3 =	sadd.s32 $0x88, s3;
	s6 =	simm.s32 @!p1 $0x1082;
	[sflag:s4] =	ssyncset.s32 $0xFFFFF086  }
0x25: {  	[simem:s6], [sflag:s4] =	dma.local [hbm:s3], $0xF7A  }
0x26: {  	[smem:$0x3F92] =	sst s1;
	(tag) =	ssettag s2;
	_ =	strace s9  }
0x27: {  	s1 =	sld [smem:$0x3FA2]  }
0x28: {  	s2 =	sld [smem:$0x3FA3]  }
0x29: {  	s4 =	sld [smem:$0x3FA5]  }
0x2a: {  	p0 =	seq.s32 s5, $0x0;
	s5 =	sld [smem:$0x3FA6]  }
0x2b: {  	s6 =	sld [smem:$0x3FA7]  }
0x2c: {  	s7 =	sld [smem:$0x3FA8]  }
0x2d: {  	s3 =	simm.s32 $0x108;
	s8 =	sld [smem:$0x3FA9]  }
0x2e: {  	s3 =	simm.s32 @!p0 $0x1082;
	s9 =	sld [smem:$0x3FAA]  }
0x2f: {  	lr =	sadd.s32 s0, s3;
	s0 =	sld [smem:$0x3FA1]  }
0x30: {  	s3 =	sld [smem:$0x3FA4]  }
0x31: {  	[smem:$0x3FAD] =	sst s10  }
0x32: {  	s10 =	sld [smem:$0x3FAB];
	_ =	sdelay $0x3  }
0x33: {  	p0 =	seq.s32 s10, $0x1;
	s10 =	sld [smem:$0x3FAD];
	_ =	sdelay $0x3  }
0x34: {  	[smem:$0x3FAD] =	sst s10  }
0x35: {  	s10 =	sld [smem:$0x3FAC];
	_ =	sdelay $0x3  }
0x36: {  	p1 =	seq.s32 s10, $0x1;
	s10 =	sld [smem:$0x3FAD];
	_ =	sdelay $0x3  }
0x37: {  	[smem:$0x3FAD] =	sst s10  }
0x38: {  	s10 =	sld [smem:$0x3FAE]  }
0x39: {  	_ = 	snop;
	(pc) =	sbr.ind lr, $3  }
0x3a: {  	_ = 	snop  }
0x3b: {  	_ = 	snop  }
0x3c: {  	p2 =	seq.s32 s10, $0x1;
	s10 =	sld [smem:$0x3FAD]  }
0x3d: {  	_ =	shalt  }
0x3e: {  	_ =	shalt  }
0x3f: {  	_ =	shalt  }
0x40: {  	_ =	shalt  }
0x41: {  	_ =	shalt  }
0x42: {  	_ =	shalt  }
0x43: {  	_ =	shalt  }
0x44: {  	_ =	shalt  }
0x45: {  	_ =	shalt  }
0x46: {  	_ =	shalt  }
0x47: {  	_ =	shalt  }
0x48: {  	_ =	shalt  }
0x49: {  	_ =	shalt  }
0x4a: {  	_ =	shalt  }
0x4b: {  	_ =	shalt  }
0x4c: {  	_ =	shalt  }
0x4d: {  	_ =	shalt  }
0x4e: {  	_ =	shalt  }
0x4f: {  	_ =	shalt  }
0x50: {  	_ =	shalt  }
0x51: {  	_ =	shalt  }
0x52: {  	_ =	shalt  }
0x53: {  	_ =	shalt  }
0x54: {  	_ =	shalt  }
0x55: {  	_ =	shalt  }
0x56: {  	_ =	shalt  }
0x57: {  	_ =	shalt  }
0x58: {  	_ =	shalt  }
0x59: {  	_ =	shalt  }
0x5a: {  	_ =	shalt  }
0x5b: {  	_ =	shalt  }
0x5c: {  	_ =	shalt  }
0x5d: {  	_ =	shalt  }
0x5e: {  	_ =	shalt  }
0x5f: {  	_ =	shalt  }
0x60: {  	_ =	shalt  }
0x61: {  	_ =	shalt  }
0x62: {  	_ =	shalt  }
0x63: {  	_ =	shalt  }
0x64: {  	_ =	shalt  }
0x65: {  	_ =	shalt  }
0x66: {  	_ =	shalt  }
0x67: {  	_ =	shalt  }
0x68: {  	_ =	shalt  }
0x69: {  	_ =	shalt  }
0x6a: {  	_ =	shalt  }
0x6b: {  	_ =	shalt  }
0x6c: {  	_ =	shalt  }
0x6d: {  	_ =	shalt  }
0x6e: {  	_ =	shalt  }
0x6f: {  	_ =	shalt  }
0x70: {  	_ =	shalt  }
0x71: {  	_ =	shalt  }
0x72: {  	_ =	shalt  }
0x73: {  	_ =	shalt  }
0x74: {  	_ =	shalt  }
0x75: {  	_ =	shalt  }
0x76: {  	_ =	shalt  }
0x77: {  	_ =	shalt  }
0x78: {  	_ =	shalt  }
0x79: {  	_ =	shalt  }
0x7a: {  	_ =	shalt  }
0x7b: {  	_ =	shalt  }
0x7c: {  	_ =	shalt  }
0x7d: {  	_ =	shalt  }
0x7e: {  	_ =	shalt  }
0x7f: {  	_ =	shalt  }
0x80: {  	_ =	shalt  }
0x81: {  	_ =	shalt  }
0x82: {  	_ =	shalt  }
0x83: {  	_ =	shalt  }
0x84: {  	_ =	shalt  }
0x85: {  	_ =	shalt  }
0x86: {  	_ =	shalt  }
0x87: {  	_ =	shalt  }
.Lfunc_end0:
.L_simem_size_0:
called_computation_lowered:
.L_overlay_start_0:
0x88: {  	s2 =	sld [smem:$0x3FD9]  }
0x89: {  	s3 =	sld [smem:$0x3FFE];
	_ =	sdelay $0x1  }
0x8a: {  	s1 =	srdreg.scid  }
0x8b: {  	s0 =	sand.u32 $0x1, s1  }
0x8c: {  	s17 =	sshll.u32 s0, $0xA;
	s2 =	sadd.s32 s3, s2  }
0x8d: {  	s2 =	sadd.s32 s2, s17  }
0x8e: {  	[smem:$0x3FB9] =	sst s2  }
0x8f: {  	_ = 	snop  }
0x90: {  	s2 =	sld [smem:$0x3FC9]  }
0x91: {  	s18 =	sld [smem:$0x3FD0];
	(tm) =	ssettm $0x1  }
0x92: {  	s4 =	sld [smem:$0x3FFB];
	_ =	sdelay $0x3  }
0x93: {  	_ =	strace s4  }
0x94: {  	s4 =	sld [smem:$0x3FFC];
	_ =	sdelay $0x3  }
0x95: {  	_ =	strace s4  }
0x96: {  	s4 =	sld [smem:$0x3FFD];
	_ =	sdelay $0x3  }
0x97: {  	_ =	strace s4  }
0x98: {  	_ =	strace $0x8FFFFFFF  }
0x99: {  	s19 =	sld [smem:$0x3FDB];
	_ =	sdelay $0x1  }
0x9a: {  	s5 =	simm.s32 $_scs_section_size  }
0x9b: {  	s6 =	simm.s32 $_size__tile_overlayer_lowered;
	s7 =	simm.s32 $_tile_overlayer_lowered  }
0x9c: {  	s22 =	simm.s32 $0x1BFF;
	s21 =	sshll.u32 s7, $0x1;
	s4 =	sadd.s32 s5, s19  }
0x9d: {  	s8 =	simm.s32 $0x0;
	s20 =	sshll.u32 s6, $0x1;
	s6 =	sadd.s32 s21, s4  }
0x9e: {  	[timem:s8], [sflag:s22] =	dma.local [hbm:s6], s20  }
0x9f: {  	_ =	swait.ge [sflag:s22], s20  }
0xa0: {  	s5 =	ssub.s32 $0x0, s20;
	[sflag:s22] =	ssyncset.done $0x0  }
0xa1: {  	[sflag:s22] =	ssyncadd.s32 s5;
	_ =	sdelay $0x1  }
0xa2: {  	s23 =	simm.s32 $0x1B8B  }
0xa3: {  	_ =	swait.ge [sflag:s23], $0x1  }
0xa4: {  	[sflag:s23] =	ssyncset.done $0x0  }
0xa5: {  	s25 =	simm.s32 $0x1B8E;
	s24 =	sld [smem:$0x3FFE];
	[sflag:s23] =	ssyncadd.s32 $0xFFFFFFFF  }
0xa6: {  	s26 =	simm.s32 $execute0_lowered;
	[smem:$0x3FD2] =	sst s25  }
0xa7: {  	s6 =	sshll.u32 s26, $0x1;
	_ =	strace $0x80000046;
	[dreg:$0x1] =	wrdreg $0xFFFFFFFF  }
0xa8: {  	s28 =	simm.s32 $_size_execute0_lowered;
	s4 =	sadd.s32 s4, s6;
	[dreg:$0x0] =	wrdreg $0x0  }
0xa9: {  	s6 =	sshll.u32 s28, $0x1;
	[dreg:$0x2] =	wrdreg s4  }
0xaa: {  	[dreg:$0x3] =	wrdreg s6  }
0xab: {  	[dreg:$0x4] =	wrdreg $0xC0  }
0xac: {  	_ =	task [dreg:s8], $0x5FFFF  }
0xad: {  	[dreg:$0x1] =	wrdreg $0xFFFFFFFF  }
0xae: {  	[dreg:$0x0] =	wrdreg $0x60  }
0xaf: {  	[dreg:$0x2] =	wrdreg s2  }
0xb0: {  	[dreg:$0x3] =	wrdreg s18  }
0xb1: {  	[dreg:$0x4] =	wrdreg s24  }
0xb2: {  	[dreg:$0x5] =	wrdreg $0x92000  }
0xb3: {  	[dreg:$0x6] =	wrdreg $0x9  }
0xb4: {  	_ =	task.clear_ibuf [dreg:s8], $0x7FFFF;
	_ =	strace $0x90000046  }
0xb5: {  	s29 =	simm.s32 $0x9;
	_ =	strace $0x80000048  }
0xb6: {  	_ =	swait.ge [sflag:s29], $0x1  }
0xb7: {  	[sflag:s29] =	ssyncadd.s32 $0xFFFFFFFF  }
0xb8: {  	_ =	strace $0x90000048  }
0xb9: {  	_ =	sfence  }
0xba: {  	s30 =	sld [smem:$0x0];
	_ =	sdelay $0x2  }
0xbb: {  	s31 =	sshll.u32 s1, $0xD;
	s1 =	sshrl.u32 s1, $0x2  }
0xbc: {  	s3 =	sand.u32 $0x4000, s31;
	s1 =	sadd.s32 s1, s30  }
0xbd: {  	s0 =	sor.u32 s3, s0;
	s1 =	sshll.u32 s1, $0x11  }
0xbe: {  	s0 =	sor.u32 s1, s0  }
0xbf: {  	s0 =	sadd.s32 $0x8F2B, s0  }
0xc0: {  	[sflag:s0] =	ssyncadd.remote.s32 $0x1  }
0xc1: {  	_ =	sfence.sel $0xFFFF  }
0xc2: {  	[dreg:$0x0] =	wrdreg $0xFFFFFFFF;
	(pc) =	sbr.abs _section_cstart, $3  }
0xc3: {  	[dreg:$0x1] =	wrdreg $0xFFFFFFFF  }
0xc4: {  	_ =	task.clear_ibuf [dreg:s8], $0x2FFFF;
	_ =	strace $0x9FFFFFFF  }
0xc5: {  	(tm) =	ssettm $0x7FFFFFFF  }
tec
execute0_lowered:
.L_overlay_start_1:
0x0: {  	(tag) =	ssettag $0x1  }
0x1: {  	s1 =	rddreg [dreg:$0x0]  }
0x2: {  	s7 =	rddreg [dreg:$0x1]  }
0x3: {  	s4 =	rddreg [dreg:$0x2]  }
0x4: {  	s2 =	rddreg [dreg:$0x3]  }
0x5: {  	s0 =	rddreg [dreg:$0x4];
	s3 =	simm.s32 $0x0  }
0x6: {  	s5 =	srdreg.scid;
	s11 =	stileid.u32;
	s17 =	simm.s32 $0x4100  }
0x7: {  	s18 =	simm.s32 $0x6A00;
	s19 =	simm.s32 $0x1;
	s20 =	simm.s32 $0x4080  }
0x8: {  	s21 =	simm.s32 $0x2;
	s22 =	simm.s32 $0x4180;
	s23 =	simm.s32 $0x3  }
0x9: {  	s24 =	simm.s32 $0x4;
	[smem:$0x7FF] =	sst s3;
	s25 =	smul.u32 $0x4E000, s11  }
0xa: {  	s8 =	sand.u32 $0x1, s5;
	s9 =	smul.u32 $0x13800, s11;
	s10 =	sadd.s32 $0x2200, s4  }
0xb: {  	s29 =	sshll.u32 s11, $0x6;
	s15 =	sadd.s32 $0x138000, s2;
	s16 =	sshll.u32 s11, $0xC  }
0xc: {  	p0 =	sne.s32 s11, $0x0;
	_ =	strace $0x80000047;
	s6 =	ssub.s32 $0x2, s8  }
0xd: {  	s14 =	smul.u32 $0x138800, s8;
	s8 =	sshll.u32 s8, $0xB;
	s26 =	sshrl.u32 s6, $0x1  }
0xe: {  	s5 =	sshrl.u32 s25, $0x2;
	s28 =	sshrl.u32 s9, $0x3;
	s7 =	sadd.s32 s7, s8  }
0xf: {  	s25 =	simm.s32 $0x0;
	s12 =	ssub.s32 s6, s26;
	s13 =	sadd.s32 s5, s2  }
0x10: {  	s4 =	sadd.s32 s1, s28;
	s5 =	sor.u32 $0x1C05, s29;
	s6 =	sadd.s32 $0x27000, s1  }
.Ltmp0:
0x11: {  	s9 =	sadd.s32 s9, s14;
	s31 =	sshrl.u32 s14, $0x3;
	(pc) =	sbr.rel .LBB2_1-.Ltmp0, $4  }
0x12: {  	s7 =	sadd.s32 s16, s7;
	s14 =	simm.s32 $0x50;
	s16 =	simm.s32 $0x4200  }
0x13: {  	s30 =	sshrl.u32 s9, $0x3;
	s9 =	sadd.s32 s10, s31;
	s11 =	sshrl.u32 s13, $0x3  }
0x14: {  	s13 =	sshrl.u32 @!p0 s15, $0x3;
	s15 =	simm.s32 $0x4000;
	s8 =	sadd.s32 s10, s30  }
0x15: {  	s9 =	sadd.s32 $0x27000, s9;
	s10 =	smax.u32 s12, $0x1;
	s12 =	simm.s32 $0x5  }
.LBB2_6:
0x16: {  	_ =	swait.ge [sflag:s24], $0x2800  }
0x17: {  	[sflag:s24] =	ssyncset.done $0x0  }
0x18: {  	[sflag:s24] =	ssyncadd.s32 $0xFFFFD800  }
0x19: {  	_ =	swait.ge [sflag:s23], $0x2800  }
0x1a: {  	[sflag:s23] =	ssyncset.done $0x0  }
0x1b: {  	[sflag:s23] =	ssyncadd.s32 $0xFFFFD800  }
0x1c: {  	[bflag:$0x0] =	sbarrier.arrive $0xFFFF  }
0x1d: {  	[hbm:s8], [sflag:s5] =	dma.local [spmem:s11], $0x2700  }
0x1e: {  	s25 =	sadd.s32 $0x1, s25;
	_ =	swait.ge [sflag:s12], $0x2700  }
0x1f: {  	p1 =	sne.s32 s25, s10;
	[sflag:s12] =	ssyncset.done $0x0  }
.Ltmp1:
0x20: {  	s26 =	simm.s32 @!p0 $0x5;
	[sflag:s12] =	ssyncadd.s32 $0xFFFFD900;
	(pc) =	sbr.rel @!p1 .LBB2_7-.Ltmp1, $4  }
0x21: {  	[hbm:s9], [sflag:s5] =	dma.local @!p0 [spmem:s13], $0x100  }
0x22: {  	_ =	swait.ge @!p0 [sflag:s26], $0x100  }
0x23: {  	[sflag:s26] =	ssyncset.done @!p0 $0x0  }
0x24: {  	[sflag:s26] =	ssyncadd.s32 @!p0 $0xFFFFFF00  }
.LBB2_1:
0x25: {  	[spmem:s11], [sflag:s5] =	dma.local [hbm:s4], $0x2700  }
0x26: {  	_ =	swait.ge [sflag:s12], $0x2700  }
0x27: {  	[sflag:s12] =	ssyncset.done $0x0  }
0x28: {  	s26 =	simm.s32 @!p0 $0x5;
	[sflag:s12] =	ssyncadd.s32 $0xFFFFD900  }
0x29: {  	[spmem:s13], [sflag:s5] =	dma.local @!p0 [hbm:s6], $0x100  }
0x2a: {  	_ =	swait.ge @!p0 [sflag:s26], $0x100  }
0x2b: {  	[sflag:s26] =	ssyncset.done @!p0 $0x0  }
0x2c: {  	[sflag:s26] =	ssyncadd.s32 @!p0 $0xFFFFFF00  }
0x2d: {  	[tilespmem:s3], [sflag:$0x5] =	stream.linear.gather [hbm4b:s7+s3], $0x3E80, $0x38;
	[tilespmem:$0x1CA80] =	vst v63  }
0x2e: {  	_ =	swait.ge [sflag:s12], $0x3E80  }
0x2f: {  	[sflag:s12] =	ssyncset.done $0x0  }
0x30: {  	[sflag:s12] =	ssyncadd.s32 $0xFFFFC180  }
0x31: {  	[bflag:$0x0] =	sbarrier.arrive $0xFFFF  }
0x32: {  	v0 =	vld [tilespmem:$0x0];
	_ =	sdelay $0x1  }
0x33: {  	v1 =	vld [tilespmem:$0x10];
	_ =	sdelay $0x1  }
0x34: {  	v2 =	vld [tilespmem:$0x20]  }
0x35: {  	v3 =	vand.u32 $0x3FFF, v0  }
0x36: {  	v4 =	vld [tilespmem:$0x30];
	v0 =	vshrl.u32 v0, $0xE;
	v3 =	vmin.u32 v3, $0x270F  }
0x37: {  	v27 =	vand.u32 $0x3FFF, v1;
	v0 =	vmin.u32 v0, $0x270F;
	[tilespmem:$0x4000] =	vst v3  }
0x38: {  	v29 =	vld [tilespmem:$0x40];
	v1 =	vshrl.u32 v1, $0xE;
	v28 =	vmin.u32 v27, $0x270F;
	[tilespmem:$0x4080] =	vst v0  }
0x39: {  	v31 =	vand.u32 $0x3FFF, v2;
	v30 =	vmin.u32 v1, $0x270F;
	[tilespmem:$0x4010] =	vst v28  }
0x3a: {  	v33 =	vshrl.u32 v2, $0xE;
	v32 =	vmin.u32 v31, $0x270F;
	[tilespmem:$0x4090] =	vst v30  }
0x3b: {  	v35 =	vand.u32 $0x3FFF, v4;
	v34 =	vmin.u32 v33, $0x270F;
	[tilespmem:$0x4020] =	vst v32  }
0x3c: {  	v37 =	vshrl.u32 v4, $0xE;
	v36 =	vmin.u32 v35, $0x270F;
	[tilespmem:$0x40A0] =	vst v34  }
0x3d: {  	v39 =	vand.u32 $0x3FFF, v29;
	v38 =	vmin.u32 v37, $0x270F;
	[tilespmem:$0x4030] =	vst v36  }
0x3e: {  	v41 =	vshrl.u32 v29, $0xE;
	v40 =	vmin.u32 v39, $0x270F;
	[tilespmem:$0x40B0] =	vst v38  }
0x3f: {  	v42 =	vmin.u32 v41, $0x270F;
	[tilespmem:$0x4040] =	vst v40  }
0x40: {  	[tilespmem:$0x40C0] =	vst v42  }
0x41: {  	[tilespmem:s16], [sflag:$0x1] =	stream.indirect.gather [hbm4b:s1+s14], $0x80, s15, s14, $0xb8;
	[tilespmem:$0x1CA80] =	vst v63  }
0x42: {  	v43 =	vld [tilespmem:$0x80];
	_ =	sdelay $0x1  }
0x43: {  	v44 =	vld [tilespmem:$0x90];
	_ =	sdelay $0x1  }
0x44: {  	v45 =	vld [tilespmem:$0xA0]  }
0x45: {  	v46 =	vand.u32 $0x3FFF, v43  }
0x46: {  	v47 =	vld [tilespmem:$0xB0];
	v0 =	vshrl.u32 v43, $0xE;
	v3 =	vmin.u32 v46, $0x270F  }
0x47: {  	v48 =	vand.u32 $0x3FFF, v44;
	v0 =	vmin.u32 v0, $0x270F;
	[tilespmem:$0x4100] =	vst v3  }
0x48: {  	v50 =	vld [tilespmem:$0xC0];
	v1 =	vshrl.u32 v44, $0xE;
	v49 =	vmin.u32 v48, $0x270F;
	[tilespmem:$0x4180] =	vst v0  }
0x49: {  	v52 =	vand.u32 $0x3FFF, v45;
	v51 =	vmin.u32 v1, $0x270F;
	[tilespmem:$0x4110] =	vst v49  }
0x4a: {  	v54 =	vshrl.u32 v45, $0xE;
	v53 =	vmin.u32 v52, $0x270F;
	[tilespmem:$0x4190] =	vst v51  }
0x4b: {  	v56 =	vand.u32 $0x3FFF, v47;
	v55 =	vmin.u32 v54, $0x270F;
	[tilespmem:$0x4120] =	vst v53  }
0x4c: {  	v58 =	vshrl.u32 v47, $0xE;
	v57 =	vmin.u32 v56, $0x270F;
	[tilespmem:$0x41A0] =	vst v55  }
.Ltmp2:
0x4d: {  	v60 =	vand.u32 $0x3FFF, v50;
	v59 =	vmin.u32 v58, $0x270F;
	[tilespmem:$0x4130] =	vst v57;
	(pc) =	sbr.rel .LBB2_2-.Ltmp2, $4  }
0x4e: {  	v62 =	vshrl.u32 v50, $0xE;
	v61 =	vmin.u32 v60, $0x270F;
	[tilespmem:$0x41B0] =	vst v59  }
0x4f: {  	v63 =	vmin.u32 v62, $0x270F;
	[tilespmem:$0x4140] =	vst v61  }
0x50: {  	s28 =	simm.s32 $0x0;
	s26 =	simm.s32 $0x1C0;
	[tilespmem:$0x41C0] =	vst v63  }
0x51: {  	[tilespmem:s18], [sflag:$0x2] =	stream.indirect.gather [hbm4b:s1+s14], $0x80, s17, s14, $0xb8;
	[tilespmem:$0x1CA80] =	vst v63  }
.LBB2_3:
0x52: {  	_ =	swait.ge [sflag:s21], $0x2800  }
0x53: {  	[sflag:s21] =	ssyncset.done $0x0  }
0x54: {  	[sflag:s21] =	ssyncadd.s32 $0xFFFFD800  }
0x55: {  	[spmem:s2] =	stream.indirect.scatter.add.f32 [tilespmem:s18], [sflag:$0x4], $0x80, s22, s14, $0xb8;
	[tilespmem:$0x1CA80] =	vst v63  }
.LBB2_5:
0x56: {  	_ =	swait.ge [sflag:s23], $0x2800  }
0x57: {  	[sflag:s23] =	ssyncset.done $0x0  }
0x58: {  	[sflag:s23] =	ssyncadd.s32 $0xFFFFD800  }
0x59: {  	v0 =	vld [tilespmem:s26+$0xFFFFFF40];
	_ =	sdelay $0x4  }
0x5a: {  	v1 =	vand.u32 $0x3FFF, v0  }
0x5b: {  	v0 =	vshrl.u32 v0, $0xE;
	v1 =	vmin.u32 v1, $0x270F  }
0x5c: {  	v0 =	vmin.u32 v0, $0x270F;
	[tilespmem:$0x4000] =	vst v1  }
0x5d: {  	[tilespmem:$0x4080] =	vst v0  }
0x5e: {  	v0 =	vld [tilespmem:s26+$0xFFFFFF50];
	_ =	sdelay $0x4  }
0x5f: {  	v60 =	vand.u32 $0x3FFF, v0  }
0x60: {  	v0 =	vshrl.u32 v0, $0xE;
	v1 =	vmin.u32 v60, $0x270F  }
0x61: {  	v0 =	vmin.u32 v0, $0x270F;
	[tilespmem:$0x4010] =	vst v1  }
0x62: {  	[tilespmem:$0x4090] =	vst v0  }
0x63: {  	v0 =	vld [tilespmem:s26+$0xFFFFFF60];
	_ =	sdelay $0x4  }
0x64: {  	v61 =	vand.u32 $0x3FFF, v0  }
0x65: {  	v0 =	vshrl.u32 v0, $0xE;
	v1 =	vmin.u32 v61, $0x270F  }
0x66: {  	v0 =	vmin.u32 v0, $0x270F;
	[tilespmem:$0x4020] =	vst v1  }
0x67: {  	[tilespmem:$0x40A0] =	vst v0  }
0x68: {  	v0 =	vld [tilespmem:s26+$0xFFFFFF70];
	_ =	sdelay $0x4  }
0x69: {  	v62 =	vand.u32 $0x3FFF, v0  }
0x6a: {  	v0 =	vshrl.u32 v0, $0xE;
	v1 =	vmin.u32 v62, $0x270F  }
0x6b: {  	v0 =	vmin.u32 v0, $0x270F;
	[tilespmem:$0x4030] =	vst v1  }
0x6c: {  	[tilespmem:$0x40B0] =	vst v0  }
0x6d: {  	v0 =	vld [tilespmem:s26+$0xFFFFFF80];
	_ =	sdelay $0x4  }
0x6e: {  	v63 =	vand.u32 $0x3FFF, v0  }
0x6f: {  	v0 =	vshrl.u32 v0, $0xE;
	v1 =	vmin.u32 v63, $0x270F  }
0x70: {  	p1 =	sgt.u32 s28, $0x3C;
	v0 =	vmin.u32 v0, $0x270F;
	[tilespmem:$0x4040] =	vst v1  }
0x71: {  	s29 =	simm.s32 @!p1 $0x4;
	[tilespmem:$0x40C0] =	vst v0  }
0x72: {  	[tilespmem:s16], [sflag:$0x1] =	stream.indirect.gather [hbm4b:s1+s14], $0x80, s15, s14, $0xb8;
	[tilespmem:$0x1CA80] =	vst v63  }
0x73: {  	_ =	swait.ge @!p1 [sflag:s29], $0x2800  }
0x74: {  	[sflag:s29] =	ssyncset.done @!p1 $0x0  }
0x75: {  	[sflag:s29] =	ssyncadd.s32 @!p1 $0xFFFFD800  }
0x76: {  	v0 =	vld @!p1 [tilespmem:s26+$0xFFFFFFC0];
	_ =	sdelay $0x4  }
0x77: {  	v1 =	vand.u32 @!p1 $0x3FFF, v0  }
0x78: {  	v0 =	vshrl.u32 @!p1 v0, $0xE;
	v1 =	vmin.u32 @!p1 v1, $0x270F  }
0x79: {  	v0 =	vmin.u32 @!p1 v0, $0x270F;
	[tilespmem:$0x4100] =	vst @!p1 v1  }
0x7a: {  	[tilespmem:$0x4180] =	vst @!p1 v0  }
0x7b: {  	v0 =	vld @!p1 [tilespmem:s26+$0xFFFFFFD0];
	_ =	sdelay $0x4  }
0x7c: {  	v1 =	vand.u32 @!p1 $0x3FFF, v0  }
0x7d: {  	v0 =	vshrl.u32 @!p1 v0, $0xE;
	v1 =	vmin.u32 @!p1 v1, $0x270F  }
0x7e: {  	v0 =	vmin.u32 @!p1 v0, $0x270F;
	[tilespmem:$0x4110] =	vst @!p1 v1  }
0x7f: {  	[tilespmem:$0x4190] =	vst @!p1 v0  }
0x80: {  	v0 =	vld @!p1 [tilespmem:s26+$0xFFFFFFE0];
	_ =	sdelay $0x4  }
0x81: {  	v1 =	vand.u32 @!p1 $0x3FFF, v0  }
0x82: {  	v0 =	vshrl.u32 @!p1 v0, $0xE;
	v1 =	vmin.u32 @!p1 v1, $0x270F  }
0x83: {  	v0 =	vmin.u32 @!p1 v0, $0x270F;
	[tilespmem:$0x4120] =	vst @!p1 v1  }
0x84: {  	[tilespmem:$0x41A0] =	vst @!p1 v0  }
0x85: {  	v0 =	vld @!p1 [tilespmem:s26+$0xFFFFFFF0];
	_ =	sdelay $0x4  }
0x86: {  	v1 =	vand.u32 @!p1 $0x3FFF, v0  }
0x87: {  	v0 =	vshrl.u32 @!p1 v0, $0xE;
	v1 =	vmin.u32 @!p1 v1, $0x270F  }
0x88: {  	v0 =	vmin.u32 @!p1 v0, $0x270F;
	[tilespmem:$0x4130] =	vst @!p1 v1  }
0x89: {  	[tilespmem:$0x41B0] =	vst @!p1 v0  }
0x8a: {  	v0 =	vld @!p1 [tilespmem:s26+$0x0];
	_ =	sdelay $0x4  }
0x8b: {  	v1 =	vand.u32 @!p1 $0x3FFF, v0  }
0x8c: {  	v0 =	vshrl.u32 @!p1 v0, $0xE;
	v1 =	vmin.u32 @!p1 v1, $0x270F  }
0x8d: {  	s28 =	sadd.s32 $0x1, s28;
	v0 =	vmin.u32 @!p1 v0, $0x270F;
	[tilespmem:$0x4140] =	vst @!p1 v1  }
0x8e: {  	s30 =	simm.s32 @!p1 $0x4100;
	s31 =	simm.s32 @!p1 $0x6A00;
	s29 =	simm.s32 @!p1 $0x50;
	[tilespmem:$0x41C0] =	vst @!p1 v0  }
0x8f: {  	[tilespmem:s31], [sflag:$0x2] =	stream.indirect.gather @!p1 [hbm4b:s1+s29], $0x80, s30, s29, $0xb8;
	[tilespmem:$0x1CA80] =	vst v63  }
0x90: {  	p1 =	sne.s32 s28, $0x3F  }
.Ltmp3:
0x91: {  	_ = 	snop;
	(pc) =	sbr.rel @!p1 .LBB2_6-.Ltmp3, $2  }
0x92: {  	_ =	sdelay $0x2  }
0x93: {  	s26 =	sadd.s32 $0x100, s26  }
.LBB2_2:
0x94: {  	p1 =	sgt.u32 s28, $0x3D  }
.Ltmp4:
0x95: {  	_ = 	snop;
	(pc) =	sbr.rel @!p1 .LBB2_3-.Ltmp4, $4  }
0x96: {  	_ =	swait.ge [sflag:s19], $0x2800  }
0x97: {  	[sflag:s19] =	ssyncset.done $0x0  }
0x98: {  	[sflag:s19] =	ssyncadd.s32 $0xFFFFD800  }
0x99: {  	[spmem:s2] =	stream.indirect.scatter.add.f32 [tilespmem:s16], [sflag:$0x3], $0x80, s20, s14, $0xb8;
	[tilespmem:$0x1CA80] =	vst v63  }
0x9a: {  	p1 =	seq.s32 s28, $0x3E  }
.Ltmp5:
0x9b: {  	_ = 	snop;
	(pc) =	sbr.rel @!p1 .LBB2_5-.Ltmp5, $4  }
.Ltmp6:
0x9c: {  	_ = 	snop;
	(pc) =	sbr.rel @p1 .LBB2_6-.Ltmp6, $4  }
0x9d: {  	_ = 	snop  }
0x9e: {  	_ = 	snop  }
0x9f: {  	_ = 	snop  }
0xa0: {  	_ = 	snop  }
.LBB2_7:
0xa1: {  	_ =	sfence.sel $0x180000  }
0xa2: {  	[bflag:$0x0] =	sbarrier.arrive $0xFFFF  }
0xa3: {  	_ =	strace $0x90000047  }
0xa4: {  	s0 =	sadd.s32 @!p0 $0x100000, s0;
	[bflag:$0x2] =	sbarrier.arrive $0xFFFF  }
0xa5: {  	[sflag:s0] =	ssyncadd.tile.s32 @!p0 $0x1;
	_ =	shalt  }
.Lfunc_end2:
_tile_overlayer_lowered:
.L_overlay_start_2:
0xa6: {  	(tag) =	ssettag $0x2  }
0xa7: {  	s0 =	rddreg [dreg:$0x0];
	s2 =	stileid.u32  }
0xa8: {  	s1 =	rddreg [dreg:$0x1];
	p0 =	sne.s32 s2, $0x0  }
0xa9: {  	s3 =	rddreg [dreg:$0x2];
	[bflag:$0x3] =	sbarrier.arrive $0xFFFF;
	s2 =	simm.s32 @!p0 $0x1C05  }
0xaa: {  	[timem:s3], [sflag:s2] =	dma.local @!p0 [hbm:s0], s1  }
0xab: {  	s0 =	simm.s32 @!p0 $0x5  }
0xac: {  	_ =	swait.ge @!p0 [sflag:s0], s1  }
0xad: {  	s1 =	ssub.s32 @!p0 $0x0, s1;
	[sflag:s0] =	ssyncset.done @!p0 $0x0  }
0xae: {  	[sflag:s0] =	ssyncadd.s32 @!p0 s1  }
0xaf: {  	[bflag:$0x3] =	sbarrier.arrive $0xFFFF  }
0xb0: {  	_ =	shalt  }

</sc_bundles>
